<compile_context>
chip_gen: v7x
topology: tpu7x:2x2x1
jax: 0.10.2.dev20260603
libtpu: 0.0.44.dev20260713+nightly
codegen_flags: <defaults>
</compile_context>

<pallas_src>
import functools

import jax
import jax.numpy as jnp
from jax import lax
from jax.experimental import pallas as pl
from jax.experimental.pallas import tpu as pltpu
from jax.experimental.pallas import tpu_sc as plsc


def _make_gather(VP, D, B0, H):
    NC, NS = 2, 16
    NW = NC * NS
    BT = B0 // 128
    NR = H * D // 8 // NW
    NQ = 4
    CB = B0 // NQ
    RW = CB // 128 * 8
    n = NR * NQ
    assert n % 2 == 0
    mesh = plsc.VectorSubcoreMesh(core_axis_name="c", subcore_axis_name="s")

    @functools.partial(
        pl.kernel,
        mesh=mesh,
        compiler_params=pltpu.CompilerParams(needs_layout_passes=False),
        out_type=jax.ShapeDtypeStruct((H * D // 8, BT * 8, 128), jnp.float32),
        scratch_types=[
            pltpu.VMEM((D, VP), jnp.float32),
            pltpu.VMEM((CB // 128, 128), jnp.int32),
            pltpu.VMEM((CB // 128, 128), jnp.int32),
            pltpu.VMEM((RW, 128), jnp.float32),
            pltpu.VMEM((RW, 128), jnp.float32),
            pltpu.SemaphoreType.DMA,
            pltpu.SemaphoreType.DMA,
            pltpu.SemaphoreType.DMA,
            pltpu.SemaphoreType.DMA,
        ],
    )
    def k(tct_hbm, table_hbm, out_hbm, table_v, i0, i1, r0, r1, l0, l1, w0, w1):
        ibuf = (i0, i1)
        rbuf = (r0, r1)
        lsem = (l0, l1)
        wsem = (w0, w1)
        wid = lax.axis_index("s") * NC + lax.axis_index("c")
        row0 = wid * NR

        def coords(q):
            row = row0 + q // NQ
            return row, row // (D // 8), row % (D // 8), q % NQ

        def startL(q, b):
            row, h, dt, qq = coords(q)
            pltpu.async_copy(
                tct_hbm.at[h, pl.ds(qq * (CB // 128), CB // 128), :],
                ibuf[b],
                lsem[b],
            )

        def waitL(b):
            pltpu.make_async_copy(
                tct_hbm.at[0, pl.ds(0, CB // 128), :], ibuf[b], lsem[b]
            ).wait()

        def startW(q, b):
            row, h, dt, qq = coords(q)
            pltpu.async_copy(
                rbuf[b], out_hbm.at[row, pl.ds(qq * RW, RW), :], wsem[b]
            )

        def waitW(b):
            pltpu.make_async_copy(
                rbuf[b], out_hbm.at[0, pl.ds(0, RW), :], wsem[b]
            ).wait()

        def compute(q, b):
            row, h, dt, qq = coords(q)
            src = ibuf[b]
            dst = rbuf[b]
            vdt = jnp.zeros((16,), jnp.int32) + dt * 8
            dvs = [vdt + r for r in range(8)]

            @plsc.parallel_loop(0, CB // 16, step=1)
            def _(g):
                sv = src[g // 8, pl.ds((g % 8) * 16, 16)]
                bt8 = (g // 8) * 8
                c0 = (g % 8) * 16
                for r in range(8):
                    vals = plsc.load_gather(table_v, [dvs[r], sv])
                    dst[bt8 + r, pl.ds(c0, 16)] = vals

        pltpu.sync_copy(table_hbm, table_v)
        startL(0, 0)
        startL(1, 1)

        @pl.loop(0, n, step=2)
        def _(t):
            for d2 in range(2):
                q = t + d2
                b = d2
                waitL(b)

                @pl.when(q >= 2)
                def _():
                    waitW(b)

                compute(q, b)
                startW(q, b)

                @pl.when(q + 2 < n)
                def _():
                    startL(q + 2, b)

        waitW(0)
        waitW(1)

    return k


def kernel(tc, embedding):
    B0, H = tc.shape
    V, D = embedding.shape
    VP = V + (-V) % 8
    BT = B0 // 128
    tct = tc.T.reshape(H, B0 // 128, 128)
    table = jnp.pad(embedding.astype(jnp.float32).T, ((0, 0), (0, VP - V)))
    x5 = _make_gather(VP, D, B0, H)(tct, table)
    x5 = x5.reshape(H, D // 8, BT, 8, 128)
    return x5.transpose(2, 4, 0, 1, 3).reshape(B0, H, D)

# --- scband reference (transcript-rebuilt; emitter-appended) ---
"""Pipeline reference for scband-position-expansion-11965778887069 (READ-ONLY COPY).

The authoritative reference and input builder live on the scoring server;
editing this copy changes nothing except your own understanding.
"""

import jax, jax.numpy as jnp
import numpy as np

PERIODS = 366
FREQS = 32
BATCH = 16384
HIST = 200


def position_encoding(periods: int, freqs: int):
    return np.hstack([
        np.fromfunction(lambda i, j: np.sin(np.pi / periods * 2 ** j * (i - 1)), (periods + 1, freqs)),
        np.fromfunction(lambda i, j: np.cos(np.pi / periods * 2 ** j * (i - 1)), (periods + 1, freqs)),
    ])


def setup_inputs(seed: int = 0) -> dict:
    key = jax.random.key(seed)
    tc = jax.random.randint(key, (BATCH, HIST), 0, PERIODS + 1, dtype=jnp.int32)
    embedding = jnp.asarray(position_encoding(PERIODS, FREQS), dtype=jnp.float32)
    return {"tc": tc, "embedding": embedding}


def reference(tc, embedding):
    # flat = tc.view(1, -1); embedding.index_select(0, flat.flatten().long())
    flat = tc.reshape(-1).astype(jnp.int32)
    embedded = jnp.take(embedding, flat, axis=0)
    out_shape = tc.shape
    channels = embedding.shape[1]
    return embedded.reshape(out_shape[0], out_shape[1], channels)

if __name__ == "__main__":
    import jax
    _d = setup_inputs()
    print(jax.jit(kernel)(*tuple(_d.values())))

</pallas_src>

<mosaic_0001>
#map = affine_map<(d0, d1) -> (0, 0, 0)>
#map1 = affine_map<(d0, d1) -> (0, 0)>
module attributes {stable_mosaic.version = 14 : i64} {
  func.func @k(%arg0: i32, %arg1: i32, %arg2: memref<200x128x128xi32, #tpu.memory_space<hbm>>, %arg3: memref<64x368xf32, #tpu.memory_space<hbm>>, %arg4: memref<1600x1024x128xf32, #tpu.memory_space<hbm>>, %arg5: memref<64x368xf32, #tpu.memory_space<vmem>>, %arg6: memref<32x128xi32, #tpu.memory_space<vmem>>, %arg7: memref<32x128xi32, #tpu.memory_space<vmem>>, %arg8: memref<256x128xf32, #tpu.memory_space<vmem>>, %arg9: memref<256x128xf32, #tpu.memory_space<vmem>>, %arg10: memref<!tpu.dma_semaphore, #tpu.memory_space<semaphore_mem>>, %arg11: memref<!tpu.dma_semaphore, #tpu.memory_space<semaphore_mem>>, %arg12: memref<!tpu.dma_semaphore, #tpu.memory_space<semaphore_mem>>, %arg13: memref<!tpu.dma_semaphore, #tpu.memory_space<semaphore_mem>>) attributes {dimension_semantics = [#tpu.dimension_semantics<core_parallel>, #tpu.dimension_semantics<subcore_parallel>], iteration_bounds = array<i64: 2, 16>, scalar_prefetch = 0 : i64, scratch_operands = 9 : i64, tpu.core_type = #tpu.core_type<sc_vector_subcore>, window_params = [{transform_indices = #map}, {transform_indices = #map1}, {transform_indices = #map}]} {
    %mul3A = arith.constant 2 : i32
    %mul3A_0 = arith.muli %arg1, %mul3A : i32
    %add3A = arith.addi %mul3A_0, %arg0 : i32
    %mul3A_1 = arith.constant 50 : i32
    %mul3A_2 = arith.muli %add3A, %mul3A_1 : i32
    "tpu.region"() ({
      %run_scoped3A = tpu.sem_alloc : memref<!tpu.dma_semaphore, #tpu.memory_space<semaphore_mem>>
      tpu.enqueue_dma source(%arg3 : memref<64x368xf32, #tpu.memory_space<hbm>>) target(%arg5 : memref<64x368xf32, #tpu.memory_space<vmem>>) target_semaphore(%run_scoped3A : memref<!tpu.dma_semaphore, #tpu.memory_space<semaphore_mem>>)
      tpu.wait_dma2 semaphore(%run_scoped3A : memref<!tpu.dma_semaphore, #tpu.memory_space<semaphore_mem>>) src(%arg3 : memref<64x368xf32, #tpu.memory_space<hbm>>) dst(%arg5 : memref<64x368xf32, #tpu.memory_space<vmem>>)
      tpu.yield
    }) : () -> ()
    %add3A_3 = arith.constant 0 : i32
    %add3A_4 = arith.addi %mul3A_2, %add3A_3 : i32
    %jit3A = arith.constant 8 : i32
    %div3A = arith.divsi %add3A_4, %jit3A : i32
    %sign3A = arith.constant 0 : i32
    %sign3A_5 = arith.cmpi sgt, %add3A_4, %sign3A : i32
    %sign3A_6 = arith.extui %sign3A_5 : i1 to i32
    %sign3A_7 = arith.constant 0 : i32
    %sign3A_8 = arith.cmpi slt, %add3A_4, %sign3A_7 : i32
    %sign3A_9 = arith.extui %sign3A_8 : i1 to i32
    %sign3A_10 = arith.subi %sign3A_6, %sign3A_9 : i32
    %sign3A_11 = arith.constant 0 : i32
    %sign3A_12 = arith.cmpi sgt, %jit3A, %sign3A_11 : i32
    %sign3A_13 = arith.extui %sign3A_12 : i1 to i32
    %sign3A_14 = arith.constant 0 : i32
    %sign3A_15 = arith.cmpi slt, %jit3A, %sign3A_14 : i32
    %sign3A_16 = arith.extui %sign3A_15 : i1 to i32
    %sign3A_17 = arith.subi %sign3A_13, %sign3A_16 : i32
    %ne3A = arith.cmpi ne, %sign3A_10, %sign3A_17 : i32
    %rem3A = arith.remsi %add3A_4, %jit3A : i32
    %ne3A_18 = arith.constant 0 : i32
    %ne3A_19 = arith.cmpi ne, %rem3A, %ne3A_18 : i32
    %and3A = arith.andi %ne3A, %ne3A_19 : i1
    %sub3A = arith.constant 1 : i32
    %sub3A_20 = arith.subi %div3A, %sub3A : i32
    %select_n3A = arith.select %and3A, %sub3A_20, %div3A : i32
    %jit3A_21 = arith.constant 8 : i32
    %eq3A = arith.constant 0 : i32
    %eq3A_22 = arith.cmpi eq, %jit3A_21, %eq3A : i32
    %jit3A_23 = arith.constant 1 : i32
    %select_n3A_24 = arith.select %eq3A_22, %jit3A_23, %jit3A_21 : i32
    %rem3A_25 = arith.remsi %add3A_4, %select_n3A_24 : i32
    %ne3A_26 = arith.constant 0 : i32
    %ne3A_27 = arith.cmpi ne, %rem3A_25, %ne3A_26 : i32
    %lt3A = arith.constant 0 : i32
    %lt3A_28 = arith.cmpi slt, %rem3A_25, %lt3A : i32
    %lt3A_29 = arith.constant 0 : i32
    %lt3A_30 = arith.cmpi slt, %select_n3A_24, %lt3A_29 : i32
    %ne3A_31 = arith.xori %lt3A_28, %lt3A_30 : i1
    %and3A_32 = arith.andi %ne3A_31, %ne3A_27 : i1
    %add3A_33 = arith.addi %rem3A_25, %select_n3A_24 : i32
    %select_n3A_34 = arith.select %and3A_32, %add3A_33, %rem3A_25 : i32
    %dma_start3A = arith.constant 0 : i32
    %dma_start3A_35 = arith.constant 0 : i32
    %dma_start3A_36 = tpu.memref_slice %arg2[%select_n3A, %dma_start3A, %dma_start3A_35] : memref<200x128x128xi32, #tpu.memory_space<hbm>> -> memref<1x32x128xi32, #tpu.memory_space<hbm>>
    %dma_start3A_37 = tpu.memref_squeeze %dma_start3A_36 : memref<1x32x128xi32, #tpu.memory_space<hbm>> -> memref<32x128xi32, #tpu.memory_space<hbm>>
    %dma_start3A_38 = arith.constant 0 : i32
    %dma_start3A_39 = arith.constant 0 : i32
    %dma_start3A_40 = tpu.memref_slice %arg2[%select_n3A, %dma_start3A_38, %dma_start3A_39] : memref<200x128x128xi32, #tpu.memory_space<hbm>> -> memref<1x32x128xi32, #tpu.memory_space<hbm>>
    %dma_start3A_41 = tpu.memref_squeeze %dma_start3A_40 : memref<1x32x128xi32, #tpu.memory_space<hbm>> -> memref<32x128xi32, #tpu.memory_space<hbm>>
    tpu.enqueue_dma source(%dma_start3A_41 : memref<32x128xi32, #tpu.memory_space<hbm>>) target(%arg6 : memref<32x128xi32, #tpu.memory_space<vmem>>) target_semaphore(%arg10 : memref<!tpu.dma_semaphore, #tpu.memory_space<semaphore_mem>>)
    %add3A_42 = arith.constant 0 : i32
    %add3A_43 = arith.addi %mul3A_2, %add3A_42 : i32
    %jit3A_44 = arith.constant 8 : i32
    %div3A_45 = arith.divsi %add3A_43, %jit3A_44 : i32
    %sign3A_46 = arith.constant 0 : i32
    %sign3A_47 = arith.cmpi sgt, %add3A_43, %sign3A_46 : i32
    %sign3A_48 = arith.extui %sign3A_47 : i1 to i32
    %sign3A_49 = arith.constant 0 : i32
    %sign3A_50 = arith.cmpi slt, %add3A_43, %sign3A_49 : i32
    %sign3A_51 = arith.extui %sign3A_50 : i1 to i32
    %sign3A_52 = arith.subi %sign3A_48, %sign3A_51 : i32
    %sign3A_53 = arith.constant 0 : i32
    %sign3A_54 = arith.cmpi sgt, %jit3A_44, %sign3A_53 : i32
    %sign3A_55 = arith.extui %sign3A_54 : i1 to i32
    %sign3A_56 = arith.constant 0 : i32
    %sign3A_57 = arith.cmpi slt, %jit3A_44, %sign3A_56 : i32
    %sign3A_58 = arith.extui %sign3A_57 : i1 to i32
    %sign3A_59 = arith.subi %sign3A_55, %sign3A_58 : i32
    %ne3A_60 = arith.cmpi ne, %sign3A_52, %sign3A_59 : i32
    %rem3A_61 = arith.remsi %add3A_43, %jit3A_44 : i32
    %ne3A_62 = arith.constant 0 : i32
    %ne3A_63 = arith.cmpi ne, %rem3A_61, %ne3A_62 : i32
    %and3A_64 = arith.andi %ne3A_60, %ne3A_63 : i1
    %sub3A_65 = arith.constant 1 : i32
    %sub3A_66 = arith.subi %div3A_45, %sub3A_65 : i32
    %select_n3A_67 = arith.select %and3A_64, %sub3A_66, %div3A_45 : i32
    %jit3A_68 = arith.constant 8 : i32
    %eq3A_69 = arith.constant 0 : i32
    %eq3A_70 = arith.cmpi eq, %jit3A_68, %eq3A_69 : i32
    %jit3A_71 = arith.constant 1 : i32
    %select_n3A_72 = arith.select %eq3A_70, %jit3A_71, %jit3A_68 : i32
    %rem3A_73 = arith.remsi %add3A_43, %select_n3A_72 : i32
    %ne3A_74 = arith.constant 0 : i32
    %ne3A_75 = arith.cmpi ne, %rem3A_73, %ne3A_74 : i32
    %lt3A_76 = arith.constant 0 : i32
    %lt3A_77 = arith.cmpi slt, %rem3A_73, %lt3A_76 : i32
    %lt3A_78 = arith.constant 0 : i32
    %lt3A_79 = arith.cmpi slt, %select_n3A_72, %lt3A_78 : i32
    %ne3A_80 = arith.xori %lt3A_77, %lt3A_79 : i1
    %and3A_81 = arith.andi %ne3A_80, %ne3A_75 : i1
    %add3A_82 = arith.addi %rem3A_73, %select_n3A_72 : i32
    %select_n3A_83 = arith.select %and3A_81, %add3A_82, %rem3A_73 : i32
    %dma_start3A_84 = arith.constant 32 : i32
    %dma_start3A_85 = arith.constant 0 : i32
    %dma_start3A_86 = tpu.memref_slice %arg2[%select_n3A_67, %dma_start3A_84, %dma_start3A_85] : memref<200x128x128xi32, #tpu.memory_space<hbm>> -> memref<1x32x128xi32, #tpu.memory_space<hbm>>
    %dma_start3A_87 = tpu.memref_squeeze %dma_start3A_86 : memref<1x32x128xi32, #tpu.memory_space<hbm>> -> memref<32x128xi32, #tpu.memory_space<hbm>>
    %dma_start3A_88 = arith.constant 32 : i32
    %dma_start3A_89 = arith.constant 0 : i32
    %dma_start3A_90 = tpu.memref_slice %arg2[%select_n3A_67, %dma_start3A_88, %dma_start3A_89] : memref<200x128x128xi32, #tpu.memory_space<hbm>> -> memref<1x32x128xi32, #tpu.memory_space<hbm>>
    %dma_start3A_91 = tpu.memref_squeeze %dma_start3A_90 : memref<1x32x128xi32, #tpu.memory_space<hbm>> -> memref<32x128xi32, #tpu.memory_space<hbm>>
    tpu.enqueue_dma source(%dma_start3A_91 : memref<32x128xi32, #tpu.memory_space<hbm>>) target(%arg7 : memref<32x128xi32, #tpu.memory_space<vmem>>) target_semaphore(%arg11 : memref<!tpu.dma_semaphore, #tpu.memory_space<semaphore_mem>>)
    %scan3A = arith.constant 0 : i32
    %scan3A_92 = arith.constant 100 : i32
    %scan3A_93 = arith.addi %scan3A, %scan3A_92 : i32
    %scan3A_94 = arith.constant 1 : i32
    scf.for %scan3A_113 = %scan3A to %scan3A_93 step %scan3A_94  : i32 {
      %mul3A_114 = arith.constant 2 : i32
      %mul3A_115 = arith.muli %scan3A_113, %mul3A_114 : i32
      %add3A_116 = arith.constant 0 : i32
      %add3A_117 = arith.addi %add3A_116, %mul3A_115 : i32
      %add3A_118 = arith.constant 0 : i32
      %add3A_119 = arith.addi %add3A_117, %add3A_118 : i32
      %dma_wait3A_120 = arith.constant 0 : i32
      %dma_wait3A_121 = arith.constant 0 : i32
      %dma_wait3A_122 = arith.constant 0 : i32
      %dma_wait3A_123 = tpu.memref_slice %arg2[%dma_wait3A_120, %dma_wait3A_121, %dma_wait3A_122] : memref<200x128x128xi32, #tpu.memory_space<hbm>> -> memref<1x32x128xi32, #tpu.memory_space<hbm>>
      %dma_wait3A_124 = tpu.memref_squeeze %dma_wait3A_123 : memref<1x32x128xi32, #tpu.memory_space<hbm>> -> memref<32x128xi32, #tpu.memory_space<hbm>>
      %dma_wait3A_125 = arith.constant 0 : i32
      %dma_wait3A_126 = arith.constant 0 : i32
      %dma_wait3A_127 = tpu.memref_slice %arg2[%dma_wait3A_120, %dma_wait3A_125, %dma_wait3A_126] : memref<200x128x128xi32, #tpu.memory_space<hbm>> -> memref<1x32x128xi32, #tpu.memory_space<hbm>>
      %dma_wait3A_128 = tpu.memref_squeeze %dma_wait3A_127 : memref<1x32x128xi32, #tpu.memory_space<hbm>> -> memref<32x128xi32, #tpu.memory_space<hbm>>
      tpu.wait_dma2 semaphore(%arg10 : memref<!tpu.dma_semaphore, #tpu.memory_space<semaphore_mem>>) src(%dma_wait3A_128 : memref<32x128xi32, #tpu.memory_space<hbm>>) dst(%arg6 : memref<32x128xi32, #tpu.memory_space<vmem>>)
      %ge3A = arith.constant 2 : i32
      %ge3A_129 = arith.cmpi sge, %add3A_119, %ge3A : i32
      %convert_element_type3A = arith.extui %ge3A_129 : i1 to i32
      %cond3A = arith.constant 0 : i32
      %cond3A_130 = arith.cmpi ne, %convert_element_type3A, %cond3A : i32
      scf.if %cond3A_130 {
        %dma_wait3A_565 = arith.constant 0 : i32
        %dma_wait3A_566 = arith.constant 0 : i32
        %dma_wait3A_567 = arith.constant 0 : i32
        %dma_wait3A_568 = tpu.memref_slice %arg4[%dma_wait3A_565, %dma_wait3A_566, %dma_wait3A_567] : memref<1600x1024x128xf32, #tpu.memory_space<hbm>> -> memref<1x256x128xf32, #tpu.memory_space<hbm>>
        %dma_wait3A_569 = tpu.memref_squeeze %dma_wait3A_568 : memref<1x256x128xf32, #tpu.memory_space<hbm>> -> memref<256x128xf32, #tpu.memory_space<hbm>>
        %dma_wait3A_570 = arith.constant 0 : i32
        %dma_wait3A_571 = arith.constant 0 : i32
        %dma_wait3A_572 = tpu.memref_slice %arg4[%dma_wait3A_565, %dma_wait3A_570, %dma_wait3A_571] : memref<1600x1024x128xf32, #tpu.memory_space<hbm>> -> memref<1x256x128xf32, #tpu.memory_space<hbm>>
        %dma_wait3A_573 = tpu.memref_squeeze %dma_wait3A_572 : memref<1x256x128xf32, #tpu.memory_space<hbm>> -> memref<256x128xf32, #tpu.memory_space<hbm>>
        tpu.wait_dma2 semaphore(%arg12 : memref<!tpu.dma_semaphore, #tpu.memory_space<semaphore_mem>>) src(%arg8 : memref<256x128xf32, #tpu.memory_space<vmem>>) dst(%dma_wait3A_573 : memref<256x128xf32, #tpu.memory_space<hbm>>)
      } else {
      }
      %jit3A_131 = arith.constant 4 : i32
      %div3A_132 = arith.divsi %add3A_119, %jit3A_131 : i32
      %sign3A_133 = arith.constant 0 : i32
      %sign3A_134 = arith.cmpi sgt, %add3A_119, %sign3A_133 : i32
      %sign3A_135 = arith.extui %sign3A_134 : i1 to i32
      %sign3A_136 = arith.constant 0 : i32
      %sign3A_137 = arith.cmpi slt, %add3A_119, %sign3A_136 : i32
      %sign3A_138 = arith.extui %sign3A_137 : i1 to i32
      %sign3A_139 = arith.subi %sign3A_135, %sign3A_138 : i32
      %sign3A_140 = arith.constant 0 : i32
      %sign3A_141 = arith.cmpi sgt, %jit3A_131, %sign3A_140 : i32
      %sign3A_142 = arith.extui %sign3A_141 : i1 to i32
      %sign3A_143 = arith.constant 0 : i32
      %sign3A_144 = arith.cmpi slt, %jit3A_131, %sign3A_143 : i32
      %sign3A_145 = arith.extui %sign3A_144 : i1 to i32
      %sign3A_146 = arith.subi %sign3A_142, %sign3A_145 : i32
      %ne3A_147 = arith.cmpi ne, %sign3A_139, %sign3A_146 : i32
      %rem3A_148 = arith.remsi %add3A_119, %jit3A_131 : i32
      %ne3A_149 = arith.constant 0 : i32
      %ne3A_150 = arith.cmpi ne, %rem3A_148, %ne3A_149 : i32
      %and3A_151 = arith.andi %ne3A_147, %ne3A_150 : i1
      %sub3A_152 = arith.constant 1 : i32
      %sub3A_153 = arith.subi %div3A_132, %sub3A_152 : i32
      %select_n3A_154 = arith.select %and3A_151, %sub3A_153, %div3A_132 : i32
      %add3A_155 = arith.addi %mul3A_2, %select_n3A_154 : i32
      %jit3A_156 = arith.constant 8 : i32
      %div3A_157 = arith.divsi %add3A_155, %jit3A_156 : i32
      %sign3A_158 = arith.constant 0 : i32
      %sign3A_159 = arith.cmpi sgt, %add3A_155, %sign3A_158 : i32
      %sign3A_160 = arith.extui %sign3A_159 : i1 to i32
      %sign3A_161 = arith.constant 0 : i32
      %sign3A_162 = arith.cmpi slt, %add3A_155, %sign3A_161 : i32
      %sign3A_163 = arith.extui %sign3A_162 : i1 to i32
      %sign3A_164 = arith.subi %sign3A_160, %sign3A_163 : i32
      %sign3A_165 = arith.constant 0 : i32
      %sign3A_166 = arith.cmpi sgt, %jit3A_156, %sign3A_165 : i32
      %sign3A_167 = arith.extui %sign3A_166 : i1 to i32
      %sign3A_168 = arith.constant 0 : i32
      %sign3A_169 = arith.cmpi slt, %jit3A_156, %sign3A_168 : i32
      %sign3A_170 = arith.extui %sign3A_169 : i1 to i32
      %sign3A_171 = arith.subi %sign3A_167, %sign3A_170 : i32
      %ne3A_172 = arith.cmpi ne, %sign3A_164, %sign3A_171 : i32
      %rem3A_173 = arith.remsi %add3A_155, %jit3A_156 : i32
      %ne3A_174 = arith.constant 0 : i32
      %ne3A_175 = arith.cmpi ne, %rem3A_173, %ne3A_174 : i32
      %and3A_176 = arith.andi %ne3A_172, %ne3A_175 : i1
      %sub3A_177 = arith.constant 1 : i32
      %sub3A_178 = arith.subi %div3A_157, %sub3A_177 : i32
      %select_n3A_179 = arith.select %and3A_176, %sub3A_178, %div3A_157 : i32
      %jit3A_180 = arith.constant 8 : i32
      %eq3A_181 = arith.constant 0 : i32
      %eq3A_182 = arith.cmpi eq, %jit3A_180, %eq3A_181 : i32
      %jit3A_183 = arith.constant 1 : i32
      %select_n3A_184 = arith.select %eq3A_182, %jit3A_183, %jit3A_180 : i32
      %rem3A_185 = arith.remsi %add3A_155, %select_n3A_184 : i32
      %ne3A_186 = arith.constant 0 : i32
      %ne3A_187 = arith.cmpi ne, %rem3A_185, %ne3A_186 : i32
      %lt3A_188 = arith.constant 0 : i32
      %lt3A_189 = arith.cmpi slt, %rem3A_185, %lt3A_188 : i32
      %lt3A_190 = arith.constant 0 : i32
      %lt3A_191 = arith.cmpi slt, %select_n3A_184, %lt3A_190 : i32
      %ne3A_192 = arith.xori %lt3A_189, %lt3A_191 : i1
      %and3A_193 = arith.andi %ne3A_192, %ne3A_187 : i1
      %add3A_194 = arith.addi %rem3A_185, %select_n3A_184 : i32
      %select_n3A_195 = arith.select %and3A_193, %add3A_194, %rem3A_185 : i32
      %jit3A_196 = arith.constant 4 : i32
      %eq3A_197 = arith.constant 0 : i32
      %eq3A_198 = arith.cmpi eq, %jit3A_196, %eq3A_197 : i32
      %jit3A_199 = arith.constant 1 : i32
      %select_n3A_200 = arith.select %eq3A_198, %jit3A_199, %jit3A_196 : i32
      %rem3A_201 = arith.remsi %add3A_119, %select_n3A_200 : i32
      %ne3A_202 = arith.constant 0 : i32
      %ne3A_203 = arith.cmpi ne, %rem3A_201, %ne3A_202 : i32
      %lt3A_204 = arith.constant 0 : i32
      %lt3A_205 = arith.cmpi slt, %rem3A_201, %lt3A_204 : i32
      %lt3A_206 = arith.constant 0 : i32
      %lt3A_207 = arith.cmpi slt, %select_n3A_200, %lt3A_206 : i32
      %ne3A_208 = arith.xori %lt3A_205, %lt3A_207 : i1
      %and3A_209 = arith.andi %ne3A_208, %ne3A_203 : i1
      %add3A_210 = arith.addi %rem3A_201, %select_n3A_200 : i32
      %select_n3A_211 = arith.select %and3A_209, %add3A_210, %rem3A_201 : i32
      %broadcast_in_dim3A = arith.constant 0 : i32
      %broadcast_in_dim3A_212 = vector.broadcast %broadcast_in_dim3A : i32 to vector<16xi32>
      %mul3A_213 = arith.constant 8 : i32
      %mul3A_214 = arith.muli %select_n3A_195, %mul3A_213 : i32
      %add3A_215 = vector.broadcast %mul3A_214 : i32 to vector<16xi32>
      %add3A_216 = arith.addi %broadcast_in_dim3A_212, %add3A_215 : vector<16xi32>
      %add3A_217 = arith.constant 0 : i32
      %add3A_218 = vector.broadcast %add3A_217 : i32 to vector<16xi32>
      %add3A_219 = arith.addi %add3A_216, %add3A_218 : vector<16xi32>
      %add3A_220 = arith.constant 1 : i32
      %add3A_221 = vector.broadcast %add3A_220 : i32 to vector<16xi32>
      %add3A_222 = arith.addi %add3A_216, %add3A_221 : vector<16xi32>
      %add3A_223 = arith.constant 2 : i32
      %add3A_224 = vector.broadcast %add3A_223 : i32 to vector<16xi32>
      %add3A_225 = arith.addi %add3A_216, %add3A_224 : vector<16xi32>
      %add3A_226 = arith.constant 3 : i32
      %add3A_227 = vector.broadcast %add3A_226 : i32 to vector<16xi32>
      %add3A_228 = arith.addi %add3A_216, %add3A_227 : vector<16xi32>
      %add3A_229 = arith.constant 4 : i32
      %add3A_230 = vector.broadcast %add3A_229 : i32 to vector<16xi32>
      %add3A_231 = arith.addi %add3A_216, %add3A_230 : vector<16xi32>
      %add3A_232 = arith.constant 5 : i32
      %add3A_233 = vector.broadcast %add3A_232 : i32 to vector<16xi32>
      %add3A_234 = arith.addi %add3A_216, %add3A_233 : vector<16xi32>
      %add3A_235 = arith.constant 6 : i32
      %add3A_236 = vector.broadcast %add3A_235 : i32 to vector<16xi32>
      %add3A_237 = arith.addi %add3A_216, %add3A_236 : vector<16xi32>
      %add3A_238 = arith.constant 7 : i32
      %add3A_239 = vector.broadcast %add3A_238 : i32 to vector<16xi32>
      %add3A_240 = arith.addi %add3A_216, %add3A_239 : vector<16xi32>
      %parallel_loop3A = arith.constant 0 : i32
      %parallel_loop3A_241 = arith.constant 256 : i32
      %parallel_loop3A_242 = arith.constant 1 : i32
      scf.for %parallel_loop3A_565 = %parallel_loop3A to %parallel_loop3A_241 step %parallel_loop3A_242  : i32 {
        %parallel_loop3A_566 = arith.constant 8 : i32
        %parallel_loop3A_567 = arith.divsi %parallel_loop3A_565, %parallel_loop3A_566 : i32
        %parallel_loop3A_568 = arith.constant 0 : i32
        %parallel_loop3A_569 = arith.cmpi sgt, %parallel_loop3A_565, %parallel_loop3A_568 : i32
        %parallel_loop3A_570 = arith.extui %parallel_loop3A_569 : i1 to i32
        %parallel_loop3A_571 = arith.constant 0 : i32
        %parallel_loop3A_572 = arith.cmpi slt, %parallel_loop3A_565, %parallel_loop3A_571 : i32
        %parallel_loop3A_573 = arith.extui %parallel_loop3A_572 : i1 to i32
        %parallel_loop3A_574 = arith.subi %parallel_loop3A_570, %parallel_loop3A_573 : i32
        %parallel_loop3A_575 = arith.constant 0 : i32
        %parallel_loop3A_576 = arith.cmpi sgt, %parallel_loop3A_566, %parallel_loop3A_575 : i32
        %parallel_loop3A_577 = arith.extui %parallel_loop3A_576 : i1 to i32
        %parallel_loop3A_578 = arith.constant 0 : i32
        %parallel_loop3A_579 = arith.cmpi slt, %parallel_loop3A_566, %parallel_loop3A_578 : i32
        %parallel_loop3A_580 = arith.extui %parallel_loop3A_579 : i1 to i32
        %parallel_loop3A_581 = arith.subi %parallel_loop3A_577, %parallel_loop3A_580 : i32
        %parallel_loop3A_582 = arith.cmpi ne, %parallel_loop3A_574, %parallel_loop3A_581 : i32
        %parallel_loop3A_583 = arith.remsi %parallel_loop3A_565, %parallel_loop3A_566 : i32
        %parallel_loop3A_584 = arith.constant 0 : i32
        %parallel_loop3A_585 = arith.cmpi ne, %parallel_loop3A_583, %parallel_loop3A_584 : i32
        %parallel_loop3A_586 = arith.andi %parallel_loop3A_582, %parallel_loop3A_585 : i1
        %parallel_loop3A_587 = arith.constant 1 : i32
        %parallel_loop3A_588 = arith.subi %parallel_loop3A_567, %parallel_loop3A_587 : i32
        %parallel_loop3A_589 = arith.select %parallel_loop3A_586, %parallel_loop3A_588, %parallel_loop3A_567 : i32
        %parallel_loop3A_590 = arith.constant 8 : i32
        %parallel_loop3A_591 = arith.constant 0 : i32
        %parallel_loop3A_592 = arith.cmpi eq, %parallel_loop3A_590, %parallel_loop3A_591 : i32
        %parallel_loop3A_593 = arith.constant 1 : i32
        %parallel_loop3A_594 = arith.select %parallel_loop3A_592, %parallel_loop3A_593, %parallel_loop3A_590 : i32
        %parallel_loop3A_595 = arith.remsi %parallel_loop3A_565, %parallel_loop3A_594 : i32
        %parallel_loop3A_596 = arith.constant 0 : i32
        %parallel_loop3A_597 = arith.cmpi ne, %parallel_loop3A_595, %parallel_loop3A_596 : i32
        %parallel_loop3A_598 = arith.constant 0 : i32
        %parallel_loop3A_599 = arith.cmpi slt, %parallel_loop3A_595, %parallel_loop3A_598 : i32
        %parallel_loop3A_600 = arith.constant 0 : i32
        %parallel_loop3A_601 = arith.cmpi slt, %parallel_loop3A_594, %parallel_loop3A_600 : i32
        %parallel_loop3A_602 = arith.xori %parallel_loop3A_599, %parallel_loop3A_601 : i1
        %parallel_loop3A_603 = arith.andi %parallel_loop3A_602, %parallel_loop3A_597 : i1
        %parallel_loop3A_604 = arith.addi %parallel_loop3A_595, %parallel_loop3A_594 : i32
        %parallel_loop3A_605 = arith.select %parallel_loop3A_603, %parallel_loop3A_604, %parallel_loop3A_595 : i32
        %parallel_loop3A_606 = arith.constant 16 : i32
        %parallel_loop3A_607 = arith.muli %parallel_loop3A_605, %parallel_loop3A_606 : i32
        %parallel_loop3A_608 = arith.index_cast %parallel_loop3A_589 : i32 to index
        %parallel_loop3A_609 = arith.index_cast %parallel_loop3A_607 : i32 to index
        %parallel_loop3A_610 = tpu.vector_load %arg6[%parallel_loop3A_608, %parallel_loop3A_609] {strides = array<i32>} : memref<32x128xi32, #tpu.memory_space<vmem>>, vector<16xi32>,
        %parallel_loop3A_611 = arith.constant 8 : i32
        %parallel_loop3A_612 = arith.divsi %parallel_loop3A_565, %parallel_loop3A_611 : i32
        %parallel_loop3A_613 = arith.constant 0 : i32
        %parallel_loop3A_614 = arith.cmpi sgt, %parallel_loop3A_565, %parallel_loop3A_613 : i32
        %parallel_loop3A_615 = arith.extui %parallel_loop3A_614 : i1 to i32
        %parallel_loop3A_616 = arith.constant 0 : i32
        %parallel_loop3A_617 = arith.cmpi slt, %parallel_loop3A_565, %parallel_loop3A_616 : i32
        %parallel_loop3A_618 = arith.extui %parallel_loop3A_617 : i1 to i32
        %parallel_loop3A_619 = arith.subi %parallel_loop3A_615, %parallel_loop3A_618 : i32
        %parallel_loop3A_620 = arith.constant 0 : i32
        %parallel_loop3A_621 = arith.cmpi sgt, %parallel_loop3A_611, %parallel_loop3A_620 : i32
        %parallel_loop3A_622 = arith.extui %parallel_loop3A_621 : i1 to i32
        %parallel_loop3A_623 = arith.constant 0 : i32
        %parallel_loop3A_624 = arith.cmpi slt, %parallel_loop3A_611, %parallel_loop3A_623 : i32
        %parallel_loop3A_625 = arith.extui %parallel_loop3A_624 : i1 to i32
        %parallel_loop3A_626 = arith.subi %parallel_loop3A_622, %parallel_loop3A_625 : i32
        %parallel_loop3A_627 = arith.cmpi ne, %parallel_loop3A_619, %parallel_loop3A_626 : i32
        %parallel_loop3A_628 = arith.remsi %parallel_loop3A_565, %parallel_loop3A_611 : i32
        %parallel_loop3A_629 = arith.constant 0 : i32
        %parallel_loop3A_630 = arith.cmpi ne, %parallel_loop3A_628, %parallel_loop3A_629 : i32
        %parallel_loop3A_631 = arith.andi %parallel_loop3A_627, %parallel_loop3A_630 : i1
        %parallel_loop3A_632 = arith.constant 1 : i32
        %parallel_loop3A_633 = arith.subi %parallel_loop3A_612, %parallel_loop3A_632 : i32
        %parallel_loop3A_634 = arith.select %parallel_loop3A_631, %parallel_loop3A_633, %parallel_loop3A_612 : i32
        %parallel_loop3A_635 = arith.constant 8 : i32
        %parallel_loop3A_636 = arith.muli %parallel_loop3A_634, %parallel_loop3A_635 : i32
        %parallel_loop3A_637 = arith.constant 8 : i32
        %parallel_loop3A_638 = arith.constant 0 : i32
        %parallel_loop3A_639 = arith.cmpi eq, %parallel_loop3A_637, %parallel_loop3A_638 : i32
        %parallel_loop3A_640 = arith.constant 1 : i32
        %parallel_loop3A_641 = arith.select %parallel_loop3A_639, %parallel_loop3A_640, %parallel_loop3A_637 : i32
        %parallel_loop3A_642 = arith.remsi %parallel_loop3A_565, %parallel_loop3A_641 : i32
        %parallel_loop3A_643 = arith.constant 0 : i32
        %parallel_loop3A_644 = arith.cmpi ne, %parallel_loop3A_642, %parallel_loop3A_643 : i32
        %parallel_loop3A_645 = arith.constant 0 : i32
        %parallel_loop3A_646 = arith.cmpi slt, %parallel_loop3A_642, %parallel_loop3A_645 : i32
        %parallel_loop3A_647 = arith.constant 0 : i32
        %parallel_loop3A_648 = arith.cmpi slt, %parallel_loop3A_641, %parallel_loop3A_647 : i32
        %parallel_loop3A_649 = arith.xori %parallel_loop3A_646, %parallel_loop3A_648 : i1
        %parallel_loop3A_650 = arith.andi %parallel_loop3A_649, %parallel_loop3A_644 : i1
        %parallel_loop3A_651 = arith.addi %parallel_loop3A_642, %parallel_loop3A_641 : i32
        %parallel_loop3A_652 = arith.select %parallel_loop3A_650, %parallel_loop3A_651, %parallel_loop3A_642 : i32
        %parallel_loop3A_653 = arith.constant 16 : i32
        %parallel_loop3A_654 = arith.muli %parallel_loop3A_652, %parallel_loop3A_653 : i32
        %parallel_loop3A_655 = tpu.vector_load_idx %arg5[%add3A_219, %parallel_loop3A_610] : memref<64x368xf32, #tpu.memory_space<vmem>>[vector<16xi32>, vector<16xi32>], vector<16xf32>,
        %parallel_loop3A_656 = arith.constant 0 : i32
        %parallel_loop3A_657 = arith.addi %parallel_loop3A_636, %parallel_loop3A_656 : i32
        %parallel_loop3A_658 = arith.index_cast %parallel_loop3A_657 : i32 to index
        %parallel_loop3A_659 = arith.index_cast %parallel_loop3A_654 : i32 to index
        %parallel_loop3A_660 = tpu.vector_load %arg8[%parallel_loop3A_658, %parallel_loop3A_659] {strides = array<i32>} : memref<256x128xf32, #tpu.memory_space<vmem>>, vector<16xf32>,
        tpu.vector_store %arg8[%parallel_loop3A_658, %parallel_loop3A_659], %parallel_loop3A_655 {strides = array<i32>} : memref<256x128xf32, #tpu.memory_space<vmem>>, vector<16xf32>,
        %parallel_loop3A_661 = tpu.vector_load_idx %arg5[%add3A_222, %parallel_loop3A_610] : memref<64x368xf32, #tpu.memory_space<vmem>>[vector<16xi32>, vector<16xi32>], vector<16xf32>,
        %parallel_loop3A_662 = arith.constant 1 : i32
        %parallel_loop3A_663 = arith.addi %parallel_loop3A_636, %parallel_loop3A_662 : i32
        %parallel_loop3A_664 = arith.index_cast %parallel_loop3A_663 : i32 to index
        %parallel_loop3A_665 = arith.index_cast %parallel_loop3A_654 : i32 to index
        %parallel_loop3A_666 = tpu.vector_load %arg8[%parallel_loop3A_664, %parallel_loop3A_665] {strides = array<i32>} : memref<256x128xf32, #tpu.memory_space<vmem>>, vector<16xf32>,
        tpu.vector_store %arg8[%parallel_loop3A_664, %parallel_loop3A_665], %parallel_loop3A_661 {strides = array<i32>} : memref<256x128xf32, #tpu.memory_space<vmem>>, vector<16xf32>,
        %parallel_loop3A_667 = tpu.vector_load_idx %arg5[%add3A_225, %parallel_loop3A_610] : memref<64x368xf32, #tpu.memory_space<vmem>>[vector<16xi32>, vector<16xi32>], vector<16xf32>,
        %parallel_loop3A_668 = arith.constant 2 : i32
        %parallel_loop3A_669 = arith.addi %parallel_loop3A_636, %parallel_loop3A_668 : i32
        %parallel_loop3A_670 = arith.index_cast %parallel_loop3A_669 : i32 to index
        %parallel_loop3A_671 = arith.index_cast %parallel_loop3A_654 : i32 to index
        %parallel_loop3A_672 = tpu.vector_load %arg8[%parallel_loop3A_670, %parallel_loop3A_671] {strides = array<i32>} : memref<256x128xf32, #tpu.memory_space<vmem>>, vector<16xf32>,
        tpu.vector_store %arg8[%parallel_loop3A_670, %parallel_loop3A_671], %parallel_loop3A_667 {strides = array<i32>} : memref<256x128xf32, #tpu.memory_space<vmem>>, vector<16xf32>,
        %parallel_loop3A_673 = tpu.vector_load_idx %arg5[%add3A_228, %parallel_loop3A_610] : memref<64x368xf32, #tpu.memory_space<vmem>>[vector<16xi32>, vector<16xi32>], vector<16xf32>,
        %parallel_loop3A_674 = arith.constant 3 : i32
        %parallel_loop3A_675 = arith.addi %parallel_loop3A_636, %parallel_loop3A_674 : i32
        %parallel_loop3A_676 = arith.index_cast %parallel_loop3A_675 : i32 to index
        %parallel_loop3A_677 = arith.index_cast %parallel_loop3A_654 : i32 to index
        %parallel_loop3A_678 = tpu.vector_load %arg8[%parallel_loop3A_676, %parallel_loop3A_677] {strides = array<i32>} : memref<256x128xf32, #tpu.memory_space<vmem>>, vector<16xf32>,
        tpu.vector_store %arg8[%parallel_loop3A_676, %parallel_loop3A_677], %parallel_loop3A_673 {strides = array<i32>} : memref<256x128xf32, #tpu.memory_space<vmem>>, vector<16xf32>,
        %parallel_loop3A_679 = tpu.vector_load_idx %arg5[%add3A_231, %parallel_loop3A_610] : memref<64x368xf32, #tpu.memory_space<vmem>>[vector<16xi32>, vector<16xi32>], vector<16xf32>,
        %parallel_loop3A_680 = arith.constant 4 : i32
        %parallel_loop3A_681 = arith.addi %parallel_loop3A_636, %parallel_loop3A_680 : i32
        %parallel_loop3A_682 = arith.index_cast %parallel_loop3A_681 : i32 to index
        %parallel_loop3A_683 = arith.index_cast %parallel_loop3A_654 : i32 to index
        %parallel_loop3A_684 = tpu.vector_load %arg8[%parallel_loop3A_682, %parallel_loop3A_683] {strides = array<i32>} : memref<256x128xf32, #tpu.memory_space<vmem>>, vector<16xf32>,
        tpu.vector_store %arg8[%parallel_loop3A_682, %parallel_loop3A_683], %parallel_loop3A_679 {strides = array<i32>} : memref<256x128xf32, #tpu.memory_space<vmem>>, vector<16xf32>,
        %parallel_loop3A_685 = tpu.vector_load_idx %arg5[%add3A_234, %parallel_loop3A_610] : memref<64x368xf32, #tpu.memory_space<vmem>>[vector<16xi32>, vector<16xi32>], vector<16xf32>,
        %parallel_loop3A_686 = arith.constant 5 : i32
        %parallel_loop3A_687 = arith.addi %parallel_loop3A_636, %parallel_loop3A_686 : i32
        %parallel_loop3A_688 = arith.index_cast %parallel_loop3A_687 : i32 to index
        %parallel_loop3A_689 = arith.index_cast %parallel_loop3A_654 : i32 to index
        %parallel_loop3A_690 = tpu.vector_load %arg8[%parallel_loop3A_688, %parallel_loop3A_689] {strides = array<i32>} : memref<256x128xf32, #tpu.memory_space<vmem>>, vector<16xf32>,
        tpu.vector_store %arg8[%parallel_loop3A_688, %parallel_loop3A_689], %parallel_loop3A_685 {strides = array<i32>} : memref<256x128xf32, #tpu.memory_space<vmem>>, vector<16xf32>,
        %parallel_loop3A_691 = tpu.vector_load_idx %arg5[%add3A_237, %parallel_loop3A_610] : memref<64x368xf32, #tpu.memory_space<vmem>>[vector<16xi32>, vector<16xi32>], vector<16xf32>,
        %parallel_loop3A_692 = arith.constant 6 : i32
        %parallel_loop3A_693 = arith.addi %parallel_loop3A_636, %parallel_loop3A_692 : i32
        %parallel_loop3A_694 = arith.index_cast %parallel_loop3A_693 : i32 to index
        %parallel_loop3A_695 = arith.index_cast %parallel_loop3A_654 : i32 to index
        %parallel_loop3A_696 = tpu.vector_load %arg8[%parallel_loop3A_694, %parallel_loop3A_695] {strides = array<i32>} : memref<256x128xf32, #tpu.memory_space<vmem>>, vector<16xf32>,
        tpu.vector_store %arg8[%parallel_loop3A_694, %parallel_loop3A_695], %parallel_loop3A_691 {strides = array<i32>} : memref<256x128xf32, #tpu.memory_space<vmem>>, vector<16xf32>,
        %parallel_loop3A_697 = tpu.vector_load_idx %arg5[%add3A_240, %parallel_loop3A_610] : memref<64x368xf32, #tpu.memory_space<vmem>>[vector<16xi32>, vector<16xi32>], vector<16xf32>,
        %parallel_loop3A_698 = arith.constant 7 : i32
        %parallel_loop3A_699 = arith.addi %parallel_loop3A_636, %parallel_loop3A_698 : i32
        %parallel_loop3A_700 = arith.index_cast %parallel_loop3A_699 : i32 to index
        %parallel_loop3A_701 = arith.index_cast %parallel_loop3A_654 : i32 to index
        %parallel_loop3A_702 = tpu.vector_load %arg8[%parallel_loop3A_700, %parallel_loop3A_701] {strides = array<i32>} : memref<256x128xf32, #tpu.memory_space<vmem>>, vector<16xf32>,
        tpu.vector_store %arg8[%parallel_loop3A_700, %parallel_loop3A_701], %parallel_loop3A_697 {strides = array<i32>} : memref<256x128xf32, #tpu.memory_space<vmem>>, vector<16xf32>,
      } {sc.loop_unroll_factor = 1 : i64, sc.parallel_access}
      %jit3A_243 = arith.constant 4 : i32
      %div3A_244 = arith.divsi %add3A_119, %jit3A_243 : i32
      %sign3A_245 = arith.constant 0 : i32
      %sign3A_246 = arith.cmpi sgt, %add3A_119, %sign3A_245 : i32
      %sign3A_247 = arith.extui %sign3A_246 : i1 to i32
      %sign3A_248 = arith.constant 0 : i32
      %sign3A_249 = arith.cmpi slt, %add3A_119, %sign3A_248 : i32
      %sign3A_250 = arith.extui %sign3A_249 : i1 to i32
      %sign3A_251 = arith.subi %sign3A_247, %sign3A_250 : i32
      %sign3A_252 = arith.constant 0 : i32
      %sign3A_253 = arith.cmpi sgt, %jit3A_243, %sign3A_252 : i32
      %sign3A_254 = arith.extui %sign3A_253 : i1 to i32
      %sign3A_255 = arith.constant 0 : i32
      %sign3A_256 = arith.cmpi slt, %jit3A_243, %sign3A_255 : i32
      %sign3A_257 = arith.extui %sign3A_256 : i1 to i32
      %sign3A_258 = arith.subi %sign3A_254, %sign3A_257 : i32
      %ne3A_259 = arith.cmpi ne, %sign3A_251, %sign3A_258 : i32
      %rem3A_260 = arith.remsi %add3A_119, %jit3A_243 : i32
      %ne3A_261 = arith.constant 0 : i32
      %ne3A_262 = arith.cmpi ne, %rem3A_260, %ne3A_261 : i32
      %and3A_263 = arith.andi %ne3A_259, %ne3A_262 : i1
      %sub3A_264 = arith.constant 1 : i32
      %sub3A_265 = arith.subi %div3A_244, %sub3A_264 : i32
      %select_n3A_266 = arith.select %and3A_263, %sub3A_265, %div3A_244 : i32
      %add3A_267 = arith.addi %mul3A_2, %select_n3A_266 : i32
      %jit3A_268 = arith.constant 8 : i32
      %div3A_269 = arith.divsi %add3A_267, %jit3A_268 : i32
      %sign3A_270 = arith.constant 0 : i32
      %sign3A_271 = arith.cmpi sgt, %add3A_267, %sign3A_270 : i32
      %sign3A_272 = arith.extui %sign3A_271 : i1 to i32
      %sign3A_273 = arith.constant 0 : i32
      %sign3A_274 = arith.cmpi slt, %add3A_267, %sign3A_273 : i32
      %sign3A_275 = arith.extui %sign3A_274 : i1 to i32
      %sign3A_276 = arith.subi %sign3A_272, %sign3A_275 : i32
      %sign3A_277 = arith.constant 0 : i32
      %sign3A_278 = arith.cmpi sgt, %jit3A_268, %sign3A_277 : i32
      %sign3A_279 = arith.extui %sign3A_278 : i1 to i32
      %sign3A_280 = arith.constant 0 : i32
      %sign3A_281 = arith.cmpi slt, %jit3A_268, %sign3A_280 : i32
      %sign3A_282 = arith.extui %sign3A_281 : i1 to i32
      %sign3A_283 = arith.subi %sign3A_279, %sign3A_282 : i32
      %ne3A_284 = arith.cmpi ne, %sign3A_276, %sign3A_283 : i32
      %rem3A_285 = arith.remsi %add3A_267, %jit3A_268 : i32
      %ne3A_286 = arith.constant 0 : i32
      %ne3A_287 = arith.cmpi ne, %rem3A_285, %ne3A_286 : i32
      %and3A_288 = arith.andi %ne3A_284, %ne3A_287 : i1
      %sub3A_289 = arith.constant 1 : i32
      %sub3A_290 = arith.subi %div3A_269, %sub3A_289 : i32
      %select_n3A_291 = arith.select %and3A_288, %sub3A_290, %div3A_269 : i32
      %jit3A_292 = arith.constant 8 : i32
      %eq3A_293 = arith.constant 0 : i32
      %eq3A_294 = arith.cmpi eq, %jit3A_292, %eq3A_293 : i32
      %jit3A_295 = arith.constant 1 : i32
      %select_n3A_296 = arith.select %eq3A_294, %jit3A_295, %jit3A_292 : i32
      %rem3A_297 = arith.remsi %add3A_267, %select_n3A_296 : i32
      %ne3A_298 = arith.constant 0 : i32
      %ne3A_299 = arith.cmpi ne, %rem3A_297, %ne3A_298 : i32
      %lt3A_300 = arith.constant 0 : i32
      %lt3A_301 = arith.cmpi slt, %rem3A_297, %lt3A_300 : i32
      %lt3A_302 = arith.constant 0 : i32
      %lt3A_303 = arith.cmpi slt, %select_n3A_296, %lt3A_302 : i32
      %ne3A_304 = arith.xori %lt3A_301, %lt3A_303 : i1
      %and3A_305 = arith.andi %ne3A_304, %ne3A_299 : i1
      %add3A_306 = arith.addi %rem3A_297, %select_n3A_296 : i32
      %select_n3A_307 = arith.select %and3A_305, %add3A_306, %rem3A_297 : i32
      %jit3A_308 = arith.constant 4 : i32
      %eq3A_309 = arith.constant 0 : i32
      %eq3A_310 = arith.cmpi eq, %jit3A_308, %eq3A_309 : i32
      %jit3A_311 = arith.constant 1 : i32
      %select_n3A_312 = arith.select %eq3A_310, %jit3A_311, %jit3A_308 : i32
      %rem3A_313 = arith.remsi %add3A_119, %select_n3A_312 : i32
      %ne3A_314 = arith.constant 0 : i32
      %ne3A_315 = arith.cmpi ne, %rem3A_313, %ne3A_314 : i32
      %lt3A_316 = arith.constant 0 : i32
      %lt3A_317 = arith.cmpi slt, %rem3A_313, %lt3A_316 : i32
      %lt3A_318 = arith.constant 0 : i32
      %lt3A_319 = arith.cmpi slt, %select_n3A_312, %lt3A_318 : i32
      %ne3A_320 = arith.xori %lt3A_317, %lt3A_319 : i1
      %and3A_321 = arith.andi %ne3A_320, %ne3A_315 : i1
      %add3A_322 = arith.addi %rem3A_313, %select_n3A_312 : i32
      %select_n3A_323 = arith.select %and3A_321, %add3A_322, %rem3A_313 : i32
      %mul3A_324 = arith.constant 256 : i32
      %mul3A_325 = arith.muli %select_n3A_323, %mul3A_324 : i32
      %dma_start3A_326 = arith.constant 0 : i32
      %dma_start3A_327 = tpu.memref_slice %arg4[%add3A_267, %mul3A_325, %dma_start3A_326] : memref<1600x1024x128xf32, #tpu.memory_space<hbm>> -> memref<1x256x128xf32, #tpu.memory_space<hbm>>
      %dma_start3A_328 = tpu.memref_squeeze %dma_start3A_327 : memref<1x256x128xf32, #tpu.memory_space<hbm>> -> memref<256x128xf32, #tpu.memory_space<hbm>>
      %dma_start3A_329 = arith.constant 0 : i32
      %dma_start3A_330 = tpu.memref_slice %arg4[%add3A_267, %mul3A_325, %dma_start3A_329] : memref<1600x1024x128xf32, #tpu.memory_space<hbm>> -> memref<1x256x128xf32, #tpu.memory_space<hbm>>
      %dma_start3A_331 = tpu.memref_squeeze %dma_start3A_330 : memref<1x256x128xf32, #tpu.memory_space<hbm>> -> memref<256x128xf32, #tpu.memory_space<hbm>>
      tpu.enqueue_dma source(%arg8 : memref<256x128xf32, #tpu.memory_space<vmem>>) target(%dma_start3A_331 : memref<256x128xf32, #tpu.memory_space<hbm>>) target_semaphore(%arg12 : memref<!tpu.dma_semaphore, #tpu.memory_space<semaphore_mem>>)
      %add3A_332 = arith.constant 2 : i32
      %add3A_333 = arith.addi %add3A_119, %add3A_332 : i32
      %lt3A_334 = arith.constant 200 : i32
      %lt3A_335 = arith.cmpi slt, %add3A_333, %lt3A_334 : i32
      %convert_element_type3A_336 = arith.extui %lt3A_335 : i1 to i32
      %cond3A_337 = arith.constant 0 : i32
      %cond3A_338 = arith.cmpi ne, %convert_element_type3A_336, %cond3A_337 : i32
      scf.if %cond3A_338 {
        %add3A_565 = arith.constant 2 : i32
        %add3A_566 = arith.addi %add3A_119, %add3A_565 : i32
        %jit3A_567 = arith.constant 4 : i32
        %div3A_568 = arith.divsi %add3A_566, %jit3A_567 : i32
        %sign3A_569 = arith.constant 0 : i32
        %sign3A_570 = arith.cmpi sgt, %add3A_566, %sign3A_569 : i32
        %sign3A_571 = arith.extui %sign3A_570 : i1 to i32
        %sign3A_572 = arith.constant 0 : i32
        %sign3A_573 = arith.cmpi slt, %add3A_566, %sign3A_572 : i32
        %sign3A_574 = arith.extui %sign3A_573 : i1 to i32
        %sign3A_575 = arith.subi %sign3A_571, %sign3A_574 : i32
        %sign3A_576 = arith.constant 0 : i32
        %sign3A_577 = arith.cmpi sgt, %jit3A_567, %sign3A_576 : i32
        %sign3A_578 = arith.extui %sign3A_577 : i1 to i32
        %sign3A_579 = arith.constant 0 : i32
        %sign3A_580 = arith.cmpi slt, %jit3A_567, %sign3A_579 : i32
        %sign3A_581 = arith.extui %sign3A_580 : i1 to i32
        %sign3A_582 = arith.subi %sign3A_578, %sign3A_581 : i32
        %ne3A_583 = arith.cmpi ne, %sign3A_575, %sign3A_582 : i32
        %rem3A_584 = arith.remsi %add3A_566, %jit3A_567 : i32
        %ne3A_585 = arith.constant 0 : i32
        %ne3A_586 = arith.cmpi ne, %rem3A_584, %ne3A_585 : i32
        %and3A_587 = arith.andi %ne3A_583, %ne3A_586 : i1
        %sub3A_588 = arith.constant 1 : i32
        %sub3A_589 = arith.subi %div3A_568, %sub3A_588 : i32
        %select_n3A_590 = arith.select %and3A_587, %sub3A_589, %div3A_568 : i32
        %add3A_591 = arith.addi %mul3A_2, %select_n3A_590 : i32
        %jit3A_592 = arith.constant 8 : i32
        %div3A_593 = arith.divsi %add3A_591, %jit3A_592 : i32
        %sign3A_594 = arith.constant 0 : i32
        %sign3A_595 = arith.cmpi sgt, %add3A_591, %sign3A_594 : i32
        %sign3A_596 = arith.extui %sign3A_595 : i1 to i32
        %sign3A_597 = arith.constant 0 : i32
        %sign3A_598 = arith.cmpi slt, %add3A_591, %sign3A_597 : i32
        %sign3A_599 = arith.extui %sign3A_598 : i1 to i32
        %sign3A_600 = arith.subi %sign3A_596, %sign3A_599 : i32
        %sign3A_601 = arith.constant 0 : i32
        %sign3A_602 = arith.cmpi sgt, %jit3A_592, %sign3A_601 : i32
        %sign3A_603 = arith.extui %sign3A_602 : i1 to i32
        %sign3A_604 = arith.constant 0 : i32
        %sign3A_605 = arith.cmpi slt, %jit3A_592, %sign3A_604 : i32
        %sign3A_606 = arith.extui %sign3A_605 : i1 to i32
        %sign3A_607 = arith.subi %sign3A_603, %sign3A_606 : i32
        %ne3A_608 = arith.cmpi ne, %sign3A_600, %sign3A_607 : i32
        %rem3A_609 = arith.remsi %add3A_591, %jit3A_592 : i32
        %ne3A_610 = arith.constant 0 : i32
        %ne3A_611 = arith.cmpi ne, %rem3A_609, %ne3A_610 : i32
        %and3A_612 = arith.andi %ne3A_608, %ne3A_611 : i1
        %sub3A_613 = arith.constant 1 : i32
        %sub3A_614 = arith.subi %div3A_593, %sub3A_613 : i32
        %select_n3A_615 = arith.select %and3A_612, %sub3A_614, %div3A_593 : i32
        %jit3A_616 = arith.constant 8 : i32
        %eq3A_617 = arith.constant 0 : i32
        %eq3A_618 = arith.cmpi eq, %jit3A_616, %eq3A_617 : i32
        %jit3A_619 = arith.constant 1 : i32
        %select_n3A_620 = arith.select %eq3A_618, %jit3A_619, %jit3A_616 : i32
        %rem3A_621 = arith.remsi %add3A_591, %select_n3A_620 : i32
        %ne3A_622 = arith.constant 0 : i32
        %ne3A_623 = arith.cmpi ne, %rem3A_621, %ne3A_622 : i32
        %lt3A_624 = arith.constant 0 : i32
        %lt3A_625 = arith.cmpi slt, %rem3A_621, %lt3A_624 : i32
        %lt3A_626 = arith.constant 0 : i32
        %lt3A_627 = arith.cmpi slt, %select_n3A_620, %lt3A_626 : i32
        %ne3A_628 = arith.xori %lt3A_625, %lt3A_627 : i1
        %and3A_629 = arith.andi %ne3A_628, %ne3A_623 : i1
        %add3A_630 = arith.addi %rem3A_621, %select_n3A_620 : i32
        %select_n3A_631 = arith.select %and3A_629, %add3A_630, %rem3A_621 : i32
        %jit3A_632 = arith.constant 4 : i32
        %eq3A_633 = arith.constant 0 : i32
        %eq3A_634 = arith.cmpi eq, %jit3A_632, %eq3A_633 : i32
        %jit3A_635 = arith.constant 1 : i32
        %select_n3A_636 = arith.select %eq3A_634, %jit3A_635, %jit3A_632 : i32
        %rem3A_637 = arith.remsi %add3A_566, %select_n3A_636 : i32
        %ne3A_638 = arith.constant 0 : i32
        %ne3A_639 = arith.cmpi ne, %rem3A_637, %ne3A_638 : i32
        %lt3A_640 = arith.constant 0 : i32
        %lt3A_641 = arith.cmpi slt, %rem3A_637, %lt3A_640 : i32
        %lt3A_642 = arith.constant 0 : i32
        %lt3A_643 = arith.cmpi slt, %select_n3A_636, %lt3A_642 : i32
        %ne3A_644 = arith.xori %lt3A_641, %lt3A_643 : i1
        %and3A_645 = arith.andi %ne3A_644, %ne3A_639 : i1
        %add3A_646 = arith.addi %rem3A_637, %select_n3A_636 : i32
        %select_n3A_647 = arith.select %and3A_645, %add3A_646, %rem3A_637 : i32
        %mul3A_648 = arith.constant 32 : i32
        %mul3A_649 = arith.muli %select_n3A_647, %mul3A_648 : i32
        %dma_start3A_650 = arith.constant 0 : i32
        %dma_start3A_651 = tpu.memref_slice %arg2[%select_n3A_615, %mul3A_649, %dma_start3A_650] : memref<200x128x128xi32, #tpu.memory_space<hbm>> -> memref<1x32x128xi32, #tpu.memory_space<hbm>>
        %dma_start3A_652 = tpu.memref_squeeze %dma_start3A_651 : memref<1x32x128xi32, #tpu.memory_space<hbm>> -> memref<32x128xi32, #tpu.memory_space<hbm>>
        %dma_start3A_653 = arith.constant 0 : i32
        %dma_start3A_654 = tpu.memref_slice %arg2[%select_n3A_615, %mul3A_649, %dma_start3A_653] : memref<200x128x128xi32, #tpu.memory_space<hbm>> -> memref<1x32x128xi32, #tpu.memory_space<hbm>>
        %dma_start3A_655 = tpu.memref_squeeze %dma_start3A_654 : memref<1x32x128xi32, #tpu.memory_space<hbm>> -> memref<32x128xi32, #tpu.memory_space<hbm>>
        tpu.enqueue_dma source(%dma_start3A_655 : memref<32x128xi32, #tpu.memory_space<hbm>>) target(%arg6 : memref<32x128xi32, #tpu.memory_space<vmem>>) target_semaphore(%arg10 : memref<!tpu.dma_semaphore, #tpu.memory_space<semaphore_mem>>)
      } else {
      }
      %add3A_339 = arith.constant 1 : i32
      %add3A_340 = arith.addi %add3A_117, %add3A_339 : i32
      %dma_wait3A_341 = arith.constant 0 : i32
      %dma_wait3A_342 = arith.constant 0 : i32
      %dma_wait3A_343 = arith.constant 0 : i32
      %dma_wait3A_344 = tpu.memref_slice %arg2[%dma_wait3A_341, %dma_wait3A_342, %dma_wait3A_343] : memref<200x128x128xi32, #tpu.memory_space<hbm>> -> memref<1x32x128xi32, #tpu.memory_space<hbm>>
      %dma_wait3A_345 = tpu.memref_squeeze %dma_wait3A_344 : memref<1x32x128xi32, #tpu.memory_space<hbm>> -> memref<32x128xi32, #tpu.memory_space<hbm>>
      %dma_wait3A_346 = arith.constant 0 : i32
      %dma_wait3A_347 = arith.constant 0 : i32
      %dma_wait3A_348 = tpu.memref_slice %arg2[%dma_wait3A_341, %dma_wait3A_346, %dma_wait3A_347] : memref<200x128x128xi32, #tpu.memory_space<hbm>> -> memref<1x32x128xi32, #tpu.memory_space<hbm>>
      %dma_wait3A_349 = tpu.memref_squeeze %dma_wait3A_348 : memref<1x32x128xi32, #tpu.memory_space<hbm>> -> memref<32x128xi32, #tpu.memory_space<hbm>>
      tpu.wait_dma2 semaphore(%arg11 : memref<!tpu.dma_semaphore, #tpu.memory_space<semaphore_mem>>) src(%dma_wait3A_349 : memref<32x128xi32, #tpu.memory_space<hbm>>) dst(%arg7 : memref<32x128xi32, #tpu.memory_space<vmem>>)
      %ge3A_350 = arith.constant 2 : i32
      %ge3A_351 = arith.cmpi sge, %add3A_340, %ge3A_350 : i32
      %convert_element_type3A_352 = arith.extui %ge3A_351 : i1 to i32
      %cond3A_353 = arith.constant 0 : i32
      %cond3A_354 = arith.cmpi ne, %convert_element_type3A_352, %cond3A_353 : i32
      scf.if %cond3A_354 {
        %dma_wait3A_565 = arith.constant 0 : i32
        %dma_wait3A_566 = arith.constant 0 : i32
        %dma_wait3A_567 = arith.constant 0 : i32
        %dma_wait3A_568 = tpu.memref_slice %arg4[%dma_wait3A_565, %dma_wait3A_566, %dma_wait3A_567] : memref<1600x1024x128xf32, #tpu.memory_space<hbm>> -> memref<1x256x128xf32, #tpu.memory_space<hbm>>
        %dma_wait3A_569 = tpu.memref_squeeze %dma_wait3A_568 : memref<1x256x128xf32, #tpu.memory_space<hbm>> -> memref<256x128xf32, #tpu.memory_space<hbm>>
        %dma_wait3A_570 = arith.constant 0 : i32
        %dma_wait3A_571 = arith.constant 0 : i32
        %dma_wait3A_572 = tpu.memref_slice %arg4[%dma_wait3A_565, %dma_wait3A_570, %dma_wait3A_571] : memref<1600x1024x128xf32, #tpu.memory_space<hbm>> -> memref<1x256x128xf32, #tpu.memory_space<hbm>>
        %dma_wait3A_573 = tpu.memref_squeeze %dma_wait3A_572 : memref<1x256x128xf32, #tpu.memory_space<hbm>> -> memref<256x128xf32, #tpu.memory_space<hbm>>
        tpu.wait_dma2 semaphore(%arg13 : memref<!tpu.dma_semaphore, #tpu.memory_space<semaphore_mem>>) src(%arg9 : memref<256x128xf32, #tpu.memory_space<vmem>>) dst(%dma_wait3A_573 : memref<256x128xf32, #tpu.memory_space<hbm>>)
      } else {
      }
      %jit3A_355 = arith.constant 4 : i32
      %div3A_356 = arith.divsi %add3A_340, %jit3A_355 : i32
      %sign3A_357 = arith.constant 0 : i32
      %sign3A_358 = arith.cmpi sgt, %add3A_340, %sign3A_357 : i32
      %sign3A_359 = arith.extui %sign3A_358 : i1 to i32
      %sign3A_360 = arith.constant 0 : i32
      %sign3A_361 = arith.cmpi slt, %add3A_340, %sign3A_360 : i32
      %sign3A_362 = arith.extui %sign3A_361 : i1 to i32
      %sign3A_363 = arith.subi %sign3A_359, %sign3A_362 : i32
      %sign3A_364 = arith.constant 0 : i32
      %sign3A_365 = arith.cmpi sgt, %jit3A_355, %sign3A_364 : i32
      %sign3A_366 = arith.extui %sign3A_365 : i1 to i32
      %sign3A_367 = arith.constant 0 : i32
      %sign3A_368 = arith.cmpi slt, %jit3A_355, %sign3A_367 : i32
      %sign3A_369 = arith.extui %sign3A_368 : i1 to i32
      %sign3A_370 = arith.subi %sign3A_366, %sign3A_369 : i32
      %ne3A_371 = arith.cmpi ne, %sign3A_363, %sign3A_370 : i32
      %rem3A_372 = arith.remsi %add3A_340, %jit3A_355 : i32
      %ne3A_373 = arith.constant 0 : i32
      %ne3A_374 = arith.cmpi ne, %rem3A_372, %ne3A_373 : i32
      %and3A_375 = arith.andi %ne3A_371, %ne3A_374 : i1
      %sub3A_376 = arith.constant 1 : i32
      %sub3A_377 = arith.subi %div3A_356, %sub3A_376 : i32
      %select_n3A_378 = arith.select %and3A_375, %sub3A_377, %div3A_356 : i32
      %add3A_379 = arith.addi %mul3A_2, %select_n3A_378 : i32
      %jit3A_380 = arith.constant 8 : i32
      %div3A_381 = arith.divsi %add3A_379, %jit3A_380 : i32
      %sign3A_382 = arith.constant 0 : i32
      %sign3A_383 = arith.cmpi sgt, %add3A_379, %sign3A_382 : i32
      %sign3A_384 = arith.extui %sign3A_383 : i1 to i32
      %sign3A_385 = arith.constant 0 : i32
      %sign3A_386 = arith.cmpi slt, %add3A_379, %sign3A_385 : i32
      %sign3A_387 = arith.extui %sign3A_386 : i1 to i32
      %sign3A_388 = arith.subi %sign3A_384, %sign3A_387 : i32
      %sign3A_389 = arith.constant 0 : i32
      %sign3A_390 = arith.cmpi sgt, %jit3A_380, %sign3A_389 : i32
      %sign3A_391 = arith.extui %sign3A_390 : i1 to i32
      %sign3A_392 = arith.constant 0 : i32
      %sign3A_393 = arith.cmpi slt, %jit3A_380, %sign3A_392 : i32
      %sign3A_394 = arith.extui %sign3A_393 : i1 to i32
      %sign3A_395 = arith.subi %sign3A_391, %sign3A_394 : i32
      %ne3A_396 = arith.cmpi ne, %sign3A_388, %sign3A_395 : i32
      %rem3A_397 = arith.remsi %add3A_379, %jit3A_380 : i32
      %ne3A_398 = arith.constant 0 : i32
      %ne3A_399 = arith.cmpi ne, %rem3A_397, %ne3A_398 : i32
      %and3A_400 = arith.andi %ne3A_396, %ne3A_399 : i1
      %sub3A_401 = arith.constant 1 : i32
      %sub3A_402 = arith.subi %div3A_381, %sub3A_401 : i32
      %select_n3A_403 = arith.select %and3A_400, %sub3A_402, %div3A_381 : i32
      %jit3A_404 = arith.constant 8 : i32
      %eq3A_405 = arith.constant 0 : i32
      %eq3A_406 = arith.cmpi eq, %jit3A_404, %eq3A_405 : i32
      %jit3A_407 = arith.constant 1 : i32
      %select_n3A_408 = arith.select %eq3A_406, %jit3A_407, %jit3A_404 : i32
      %rem3A_409 = arith.remsi %add3A_379, %select_n3A_408 : i32
      %ne3A_410 = arith.constant 0 : i32
      %ne3A_411 = arith.cmpi ne, %rem3A_409, %ne3A_410 : i32
      %lt3A_412 = arith.constant 0 : i32
      %lt3A_413 = arith.cmpi slt, %rem3A_409, %lt3A_412 : i32
      %lt3A_414 = arith.constant 0 : i32
      %lt3A_415 = arith.cmpi slt, %select_n3A_408, %lt3A_414 : i32
      %ne3A_416 = arith.xori %lt3A_413, %lt3A_415 : i1
      %and3A_417 = arith.andi %ne3A_416, %ne3A_411 : i1
      %add3A_418 = arith.addi %rem3A_409, %select_n3A_408 : i32
      %select_n3A_419 = arith.select %and3A_417, %add3A_418, %rem3A_409 : i32
      %jit3A_420 = arith.constant 4 : i32
      %eq3A_421 = arith.constant 0 : i32
      %eq3A_422 = arith.cmpi eq, %jit3A_420, %eq3A_421 : i32
      %jit3A_423 = arith.constant 1 : i32
      %select_n3A_424 = arith.select %eq3A_422, %jit3A_423, %jit3A_420 : i32
      %rem3A_425 = arith.remsi %add3A_340, %select_n3A_424 : i32
      %ne3A_426 = arith.constant 0 : i32
      %ne3A_427 = arith.cmpi ne, %rem3A_425, %ne3A_426 : i32
      %lt3A_428 = arith.constant 0 : i32
      %lt3A_429 = arith.cmpi slt, %rem3A_425, %lt3A_428 : i32
      %lt3A_430 = arith.constant 0 : i32
      %lt3A_431 = arith.cmpi slt, %select_n3A_424, %lt3A_430 : i32
      %ne3A_432 = arith.xori %lt3A_429, %lt3A_431 : i1
      %and3A_433 = arith.andi %ne3A_432, %ne3A_427 : i1
      %add3A_434 = arith.addi %rem3A_425, %select_n3A_424 : i32
      %select_n3A_435 = arith.select %and3A_433, %add3A_434, %rem3A_425 : i32
      %broadcast_in_dim3A_436 = arith.constant 0 : i32
      %broadcast_in_dim3A_437 = vector.broadcast %broadcast_in_dim3A_436 : i32 to vector<16xi32>
      %mul3A_438 = arith.constant 8 : i32
      %mul3A_439 = arith.muli %select_n3A_419, %mul3A_438 : i32
      %add3A_440 = vector.broadcast %mul3A_439 : i32 to vector<16xi32>
      %add3A_441 = arith.addi %broadcast_in_dim3A_437, %add3A_440 : vector<16xi32>
      %add3A_442 = arith.constant 0 : i32
      %add3A_443 = vector.broadcast %add3A_442 : i32 to vector<16xi32>
      %add3A_444 = arith.addi %add3A_441, %add3A_443 : vector<16xi32>
      %add3A_445 = arith.constant 1 : i32
      %add3A_446 = vector.broadcast %add3A_445 : i32 to vector<16xi32>
      %add3A_447 = arith.addi %add3A_441, %add3A_446 : vector<16xi32>
      %add3A_448 = arith.constant 2 : i32
      %add3A_449 = vector.broadcast %add3A_448 : i32 to vector<16xi32>
      %add3A_450 = arith.addi %add3A_441, %add3A_449 : vector<16xi32>
      %add3A_451 = arith.constant 3 : i32
      %add3A_452 = vector.broadcast %add3A_451 : i32 to vector<16xi32>
      %add3A_453 = arith.addi %add3A_441, %add3A_452 : vector<16xi32>
      %add3A_454 = arith.constant 4 : i32
      %add3A_455 = vector.broadcast %add3A_454 : i32 to vector<16xi32>
      %add3A_456 = arith.addi %add3A_441, %add3A_455 : vector<16xi32>
      %add3A_457 = arith.constant 5 : i32
      %add3A_458 = vector.broadcast %add3A_457 : i32 to vector<16xi32>
      %add3A_459 = arith.addi %add3A_441, %add3A_458 : vector<16xi32>
      %add3A_460 = arith.constant 6 : i32
      %add3A_461 = vector.broadcast %add3A_460 : i32 to vector<16xi32>
      %add3A_462 = arith.addi %add3A_441, %add3A_461 : vector<16xi32>
      %add3A_463 = arith.constant 7 : i32
      %add3A_464 = vector.broadcast %add3A_463 : i32 to vector<16xi32>
      %add3A_465 = arith.addi %add3A_441, %add3A_464 : vector<16xi32>
      %parallel_loop3A_466 = arith.constant 0 : i32
      %parallel_loop3A_467 = arith.constant 256 : i32
      %parallel_loop3A_468 = arith.constant 1 : i32
      scf.for %parallel_loop3A_565 = %parallel_loop3A_466 to %parallel_loop3A_467 step %parallel_loop3A_468  : i32 {
        %parallel_loop3A_566 = arith.constant 8 : i32
        %parallel_loop3A_567 = arith.divsi %parallel_loop3A_565, %parallel_loop3A_566 : i32
        %parallel_loop3A_568 = arith.constant 0 : i32
        %parallel_loop3A_569 = arith.cmpi sgt, %parallel_loop3A_565, %parallel_loop3A_568 : i32
        %parallel_loop3A_570 = arith.extui %parallel_loop3A_569 : i1 to i32
        %parallel_loop3A_571 = arith.constant 0 : i32
        %parallel_loop3A_572 = arith.cmpi slt, %parallel_loop3A_565, %parallel_loop3A_571 : i32
        %parallel_loop3A_573 = arith.extui %parallel_loop3A_572 : i1 to i32
        %parallel_loop3A_574 = arith.subi %parallel_loop3A_570, %parallel_loop3A_573 : i32
        %parallel_loop3A_575 = arith.constant 0 : i32
        %parallel_loop3A_576 = arith.cmpi sgt, %parallel_loop3A_566, %parallel_loop3A_575 : i32
        %parallel_loop3A_577 = arith.extui %parallel_loop3A_576 : i1 to i32
        %parallel_loop3A_578 = arith.constant 0 : i32
        %parallel_loop3A_579 = arith.cmpi slt, %parallel_loop3A_566, %parallel_loop3A_578 : i32
        %parallel_loop3A_580 = arith.extui %parallel_loop3A_579 : i1 to i32
        %parallel_loop3A_581 = arith.subi %parallel_loop3A_577, %parallel_loop3A_580 : i32
        %parallel_loop3A_582 = arith.cmpi ne, %parallel_loop3A_574, %parallel_loop3A_581 : i32
        %parallel_loop3A_583 = arith.remsi %parallel_loop3A_565, %parallel_loop3A_566 : i32
        %parallel_loop3A_584 = arith.constant 0 : i32
        %parallel_loop3A_585 = arith.cmpi ne, %parallel_loop3A_583, %parallel_loop3A_584 : i32
        %parallel_loop3A_586 = arith.andi %parallel_loop3A_582, %parallel_loop3A_585 : i1
        %parallel_loop3A_587 = arith.constant 1 : i32
        %parallel_loop3A_588 = arith.subi %parallel_loop3A_567, %parallel_loop3A_587 : i32
        %parallel_loop3A_589 = arith.select %parallel_loop3A_586, %parallel_loop3A_588, %parallel_loop3A_567 : i32
        %parallel_loop3A_590 = arith.constant 8 : i32
        %parallel_loop3A_591 = arith.constant 0 : i32
        %parallel_loop3A_592 = arith.cmpi eq, %parallel_loop3A_590, %parallel_loop3A_591 : i32
        %parallel_loop3A_593 = arith.constant 1 : i32
        %parallel_loop3A_594 = arith.select %parallel_loop3A_592, %parallel_loop3A_593, %parallel_loop3A_590 : i32
        %parallel_loop3A_595 = arith.remsi %parallel_loop3A_565, %parallel_loop3A_594 : i32
        %parallel_loop3A_596 = arith.constant 0 : i32
        %parallel_loop3A_597 = arith.cmpi ne, %parallel_loop3A_595, %parallel_loop3A_596 : i32
        %parallel_loop3A_598 = arith.constant 0 : i32
        %parallel_loop3A_599 = arith.cmpi slt, %parallel_loop3A_595, %parallel_loop3A_598 : i32
        %parallel_loop3A_600 = arith.constant 0 : i32
        %parallel_loop3A_601 = arith.cmpi slt, %parallel_loop3A_594, %parallel_loop3A_600 : i32
        %parallel_loop3A_602 = arith.xori %parallel_loop3A_599, %parallel_loop3A_601 : i1
        %parallel_loop3A_603 = arith.andi %parallel_loop3A_602, %parallel_loop3A_597 : i1
        %parallel_loop3A_604 = arith.addi %parallel_loop3A_595, %parallel_loop3A_594 : i32
        %parallel_loop3A_605 = arith.select %parallel_loop3A_603, %parallel_loop3A_604, %parallel_loop3A_595 : i32
        %parallel_loop3A_606 = arith.constant 16 : i32
        %parallel_loop3A_607 = arith.muli %parallel_loop3A_605, %parallel_loop3A_606 : i32
        %parallel_loop3A_608 = arith.index_cast %parallel_loop3A_589 : i32 to index
        %parallel_loop3A_609 = arith.index_cast %parallel_loop3A_607 : i32 to index
        %parallel_loop3A_610 = tpu.vector_load %arg7[%parallel_loop3A_608, %parallel_loop3A_609] {strides = array<i32>} : memref<32x128xi32, #tpu.memory_space<vmem>>, vector<16xi32>,
        %parallel_loop3A_611 = arith.constant 8 : i32
        %parallel_loop3A_612 = arith.divsi %parallel_loop3A_565, %parallel_loop3A_611 : i32
        %parallel_loop3A_613 = arith.constant 0 : i32
        %parallel_loop3A_614 = arith.cmpi sgt, %parallel_loop3A_565, %parallel_loop3A_613 : i32
        %parallel_loop3A_615 = arith.extui %parallel_loop3A_614 : i1 to i32
        %parallel_loop3A_616 = arith.constant 0 : i32
        %parallel_loop3A_617 = arith.cmpi slt, %parallel_loop3A_565, %parallel_loop3A_616 : i32
        %parallel_loop3A_618 = arith.extui %parallel_loop3A_617 : i1 to i32
        %parallel_loop3A_619 = arith.subi %parallel_loop3A_615, %parallel_loop3A_618 : i32
        %parallel_loop3A_620 = arith.constant 0 : i32
        %parallel_loop3A_621 = arith.cmpi sgt, %parallel_loop3A_611, %parallel_loop3A_620 : i32
        %parallel_loop3A_622 = arith.extui %parallel_loop3A_621 : i1 to i32
        %parallel_loop3A_623 = arith.constant 0 : i32
        %parallel_loop3A_624 = arith.cmpi slt, %parallel_loop3A_611, %parallel_loop3A_623 : i32
        %parallel_loop3A_625 = arith.extui %parallel_loop3A_624 : i1 to i32
        %parallel_loop3A_626 = arith.subi %parallel_loop3A_622, %parallel_loop3A_625 : i32
        %parallel_loop3A_627 = arith.cmpi ne, %parallel_loop3A_619, %parallel_loop3A_626 : i32
        %parallel_loop3A_628 = arith.remsi %parallel_loop3A_565, %parallel_loop3A_611 : i32
        %parallel_loop3A_629 = arith.constant 0 : i32
        %parallel_loop3A_630 = arith.cmpi ne, %parallel_loop3A_628, %parallel_loop3A_629 : i32
        %parallel_loop3A_631 = arith.andi %parallel_loop3A_627, %parallel_loop3A_630 : i1
        %parallel_loop3A_632 = arith.constant 1 : i32
        %parallel_loop3A_633 = arith.subi %parallel_loop3A_612, %parallel_loop3A_632 : i32
        %parallel_loop3A_634 = arith.select %parallel_loop3A_631, %parallel_loop3A_633, %parallel_loop3A_612 : i32
        %parallel_loop3A_635 = arith.constant 8 : i32
        %parallel_loop3A_636 = arith.muli %parallel_loop3A_634, %parallel_loop3A_635 : i32
        %parallel_loop3A_637 = arith.constant 8 : i32
        %parallel_loop3A_638 = arith.constant 0 : i32
        %parallel_loop3A_639 = arith.cmpi eq, %parallel_loop3A_637, %parallel_loop3A_638 : i32
        %parallel_loop3A_640 = arith.constant 1 : i32
        %parallel_loop3A_641 = arith.select %parallel_loop3A_639, %parallel_loop3A_640, %parallel_loop3A_637 : i32
        %parallel_loop3A_642 = arith.remsi %parallel_loop3A_565, %parallel_loop3A_641 : i32
        %parallel_loop3A_643 = arith.constant 0 : i32
        %parallel_loop3A_644 = arith.cmpi ne, %parallel_loop3A_642, %parallel_loop3A_643 : i32
        %parallel_loop3A_645 = arith.constant 0 : i32
        %parallel_loop3A_646 = arith.cmpi slt, %parallel_loop3A_642, %parallel_loop3A_645 : i32
        %parallel_loop3A_647 = arith.constant 0 : i32
        %parallel_loop3A_648 = arith.cmpi slt, %parallel_loop3A_641, %parallel_loop3A_647 : i32
        %parallel_loop3A_649 = arith.xori %parallel_loop3A_646, %parallel_loop3A_648 : i1
        %parallel_loop3A_650 = arith.andi %parallel_loop3A_649, %parallel_loop3A_644 : i1
        %parallel_loop3A_651 = arith.addi %parallel_loop3A_642, %parallel_loop3A_641 : i32
        %parallel_loop3A_652 = arith.select %parallel_loop3A_650, %parallel_loop3A_651, %parallel_loop3A_642 : i32
        %parallel_loop3A_653 = arith.constant 16 : i32
        %parallel_loop3A_654 = arith.muli %parallel_loop3A_652, %parallel_loop3A_653 : i32
        %parallel_loop3A_655 = tpu.vector_load_idx %arg5[%add3A_444, %parallel_loop3A_610] : memref<64x368xf32, #tpu.memory_space<vmem>>[vector<16xi32>, vector<16xi32>], vector<16xf32>,
        %parallel_loop3A_656 = arith.constant 0 : i32
        %parallel_loop3A_657 = arith.addi %parallel_loop3A_636, %parallel_loop3A_656 : i32
        %parallel_loop3A_658 = arith.index_cast %parallel_loop3A_657 : i32 to index
        %parallel_loop3A_659 = arith.index_cast %parallel_loop3A_654 : i32 to index
        %parallel_loop3A_660 = tpu.vector_load %arg9[%parallel_loop3A_658, %parallel_loop3A_659] {strides = array<i32>} : memref<256x128xf32, #tpu.memory_space<vmem>>, vector<16xf32>,
        tpu.vector_store %arg9[%parallel_loop3A_658, %parallel_loop3A_659], %parallel_loop3A_655 {strides = array<i32>} : memref<256x128xf32, #tpu.memory_space<vmem>>, vector<16xf32>,
        %parallel_loop3A_661 = tpu.vector_load_idx %arg5[%add3A_447, %parallel_loop3A_610] : memref<64x368xf32, #tpu.memory_space<vmem>>[vector<16xi32>, vector<16xi32>], vector<16xf32>,
        %parallel_loop3A_662 = arith.constant 1 : i32
        %parallel_loop3A_663 = arith.addi %parallel_loop3A_636, %parallel_loop3A_662 : i32
        %parallel_loop3A_664 = arith.index_cast %parallel_loop3A_663 : i32 to index
        %parallel_loop3A_665 = arith.index_cast %parallel_loop3A_654 : i32 to index
        %parallel_loop3A_666 = tpu.vector_load %arg9[%parallel_loop3A_664, %parallel_loop3A_665] {strides = array<i32>} : memref<256x128xf32, #tpu.memory_space<vmem>>, vector<16xf32>,
        tpu.vector_store %arg9[%parallel_loop3A_664, %parallel_loop3A_665], %parallel_loop3A_661 {strides = array<i32>} : memref<256x128xf32, #tpu.memory_space<vmem>>, vector<16xf32>,
        %parallel_loop3A_667 = tpu.vector_load_idx %arg5[%add3A_450, %parallel_loop3A_610] : memref<64x368xf32, #tpu.memory_space<vmem>>[vector<16xi32>, vector<16xi32>], vector<16xf32>,
        %parallel_loop3A_668 = arith.constant 2 : i32
        %parallel_loop3A_669 = arith.addi %parallel_loop3A_636, %parallel_loop3A_668 : i32
        %parallel_loop3A_670 = arith.index_cast %parallel_loop3A_669 : i32 to index
        %parallel_loop3A_671 = arith.index_cast %parallel_loop3A_654 : i32 to index
        %parallel_loop3A_672 = tpu.vector_load %arg9[%parallel_loop3A_670, %parallel_loop3A_671] {strides = array<i32>} : memref<256x128xf32, #tpu.memory_space<vmem>>, vector<16xf32>,
        tpu.vector_store %arg9[%parallel_loop3A_670, %parallel_loop3A_671], %parallel_loop3A_667 {strides = array<i32>} : memref<256x128xf32, #tpu.memory_space<vmem>>, vector<16xf32>,
        %parallel_loop3A_673 = tpu.vector_load_idx %arg5[%add3A_453, %parallel_loop3A_610] : memref<64x368xf32, #tpu.memory_space<vmem>>[vector<16xi32>, vector<16xi32>], vector<16xf32>,
        %parallel_loop3A_674 = arith.constant 3 : i32
        %parallel_loop3A_675 = arith.addi %parallel_loop3A_636, %parallel_loop3A_674 : i32
        %parallel_loop3A_676 = arith.index_cast %parallel_loop3A_675 : i32 to index
        %parallel_loop3A_677 = arith.index_cast %parallel_loop3A_654 : i32 to index
        %parallel_loop3A_678 = tpu.vector_load %arg9[%parallel_loop3A_676, %parallel_loop3A_677] {strides = array<i32>} : memref<256x128xf32, #tpu.memory_space<vmem>>, vector<16xf32>,
        tpu.vector_store %arg9[%parallel_loop3A_676, %parallel_loop3A_677], %parallel_loop3A_673 {strides = array<i32>} : memref<256x128xf32, #tpu.memory_space<vmem>>, vector<16xf32>,
        %parallel_loop3A_679 = tpu.vector_load_idx %arg5[%add3A_456, %parallel_loop3A_610] : memref<64x368xf32, #tpu.memory_space<vmem>>[vector<16xi32>, vector<16xi32>], vector<16xf32>,
        %parallel_loop3A_680 = arith.constant 4 : i32
        %parallel_loop3A_681 = arith.addi %parallel_loop3A_636, %parallel_loop3A_680 : i32
        %parallel_loop3A_682 = arith.index_cast %parallel_loop3A_681 : i32 to index
        %parallel_loop3A_683 = arith.index_cast %parallel_loop3A_654 : i32 to index
        %parallel_loop3A_684 = tpu.vector_load %arg9[%parallel_loop3A_682, %parallel_loop3A_683] {strides = array<i32>} : memref<256x128xf32, #tpu.memory_space<vmem>>, vector<16xf32>,
        tpu.vector_store %arg9[%parallel_loop3A_682, %parallel_loop3A_683], %parallel_loop3A_679 {strides = array<i32>} : memref<256x128xf32, #tpu.memory_space<vmem>>, vector<16xf32>,
        %parallel_loop3A_685 = tpu.vector_load_idx %arg5[%add3A_459, %parallel_loop3A_610] : memref<64x368xf32, #tpu.memory_space<vmem>>[vector<16xi32>, vector<16xi32>], vector<16xf32>,
        %parallel_loop3A_686 = arith.constant 5 : i32
        %parallel_loop3A_687 = arith.addi %parallel_loop3A_636, %parallel_loop3A_686 : i32
        %parallel_loop3A_688 = arith.index_cast %parallel_loop3A_687 : i32 to index
        %parallel_loop3A_689 = arith.index_cast %parallel_loop3A_654 : i32 to index
        %parallel_loop3A_690 = tpu.vector_load %arg9[%parallel_loop3A_688, %parallel_loop3A_689] {strides = array<i32>} : memref<256x128xf32, #tpu.memory_space<vmem>>, vector<16xf32>,
        tpu.vector_store %arg9[%parallel_loop3A_688, %parallel_loop3A_689], %parallel_loop3A_685 {strides = array<i32>} : memref<256x128xf32, #tpu.memory_space<vmem>>, vector<16xf32>,
        %parallel_loop3A_691 = tpu.vector_load_idx %arg5[%add3A_462, %parallel_loop3A_610] : memref<64x368xf32, #tpu.memory_space<vmem>>[vector<16xi32>, vector<16xi32>], vector<16xf32>,
        %parallel_loop3A_692 = arith.constant 6 : i32
        %parallel_loop3A_693 = arith.addi %parallel_loop3A_636, %parallel_loop3A_692 : i32
        %parallel_loop3A_694 = arith.index_cast %parallel_loop3A_693 : i32 to index
        %parallel_loop3A_695 = arith.index_cast %parallel_loop3A_654 : i32 to index
        %parallel_loop3A_696 = tpu.vector_load %arg9[%parallel_loop3A_694, %parallel_loop3A_695] {strides = array<i32>} : memref<256x128xf32, #tpu.memory_space<vmem>>, vector<16xf32>,
        tpu.vector_store %arg9[%parallel_loop3A_694, %parallel_loop3A_695], %parallel_loop3A_691 {strides = array<i32>} : memref<256x128xf32, #tpu.memory_space<vmem>>, vector<16xf32>,
        %parallel_loop3A_697 = tpu.vector_load_idx %arg5[%add3A_465, %parallel_loop3A_610] : memref<64x368xf32, #tpu.memory_space<vmem>>[vector<16xi32>, vector<16xi32>], vector<16xf32>,
        %parallel_loop3A_698 = arith.constant 7 : i32
        %parallel_loop3A_699 = arith.addi %parallel_loop3A_636, %parallel_loop3A_698 : i32
        %parallel_loop3A_700 = arith.index_cast %parallel_loop3A_699 : i32 to index
        %parallel_loop3A_701 = arith.index_cast %parallel_loop3A_654 : i32 to index
        %parallel_loop3A_702 = tpu.vector_load %arg9[%parallel_loop3A_700, %parallel_loop3A_701] {strides = array<i32>} : memref<256x128xf32, #tpu.memory_space<vmem>>, vector<16xf32>,
        tpu.vector_store %arg9[%parallel_loop3A_700, %parallel_loop3A_701], %parallel_loop3A_697 {strides = array<i32>} : memref<256x128xf32, #tpu.memory_space<vmem>>, vector<16xf32>,
      } {sc.loop_unroll_factor = 1 : i64, sc.parallel_access}
      %jit3A_469 = arith.constant 4 : i32
      %div3A_470 = arith.divsi %add3A_340, %jit3A_469 : i32
      %sign3A_471 = arith.constant 0 : i32
      %sign3A_472 = arith.cmpi sgt, %add3A_340, %sign3A_471 : i32
      %sign3A_473 = arith.extui %sign3A_472 : i1 to i32
      %sign3A_474 = arith.constant 0 : i32
      %sign3A_475 = arith.cmpi slt, %add3A_340, %sign3A_474 : i32
      %sign3A_476 = arith.extui %sign3A_475 : i1 to i32
      %sign3A_477 = arith.subi %sign3A_473, %sign3A_476 : i32
      %sign3A_478 = arith.constant 0 : i32
      %sign3A_479 = arith.cmpi sgt, %jit3A_469, %sign3A_478 : i32
      %sign3A_480 = arith.extui %sign3A_479 : i1 to i32
      %sign3A_481 = arith.constant 0 : i32
      %sign3A_482 = arith.cmpi slt, %jit3A_469, %sign3A_481 : i32
      %sign3A_483 = arith.extui %sign3A_482 : i1 to i32
      %sign3A_484 = arith.subi %sign3A_480, %sign3A_483 : i32
      %ne3A_485 = arith.cmpi ne, %sign3A_477, %sign3A_484 : i32
      %rem3A_486 = arith.remsi %add3A_340, %jit3A_469 : i32
      %ne3A_487 = arith.constant 0 : i32
      %ne3A_488 = arith.cmpi ne, %rem3A_486, %ne3A_487 : i32
      %and3A_489 = arith.andi %ne3A_485, %ne3A_488 : i1
      %sub3A_490 = arith.constant 1 : i32
      %sub3A_491 = arith.subi %div3A_470, %sub3A_490 : i32
      %select_n3A_492 = arith.select %and3A_489, %sub3A_491, %div3A_470 : i32
      %add3A_493 = arith.addi %mul3A_2, %select_n3A_492 : i32
      %jit3A_494 = arith.constant 8 : i32
      %div3A_495 = arith.divsi %add3A_493, %jit3A_494 : i32
      %sign3A_496 = arith.constant 0 : i32
      %sign3A_497 = arith.cmpi sgt, %add3A_493, %sign3A_496 : i32
      %sign3A_498 = arith.extui %sign3A_497 : i1 to i32
      %sign3A_499 = arith.constant 0 : i32
      %sign3A_500 = arith.cmpi slt, %add3A_493, %sign3A_499 : i32
      %sign3A_501 = arith.extui %sign3A_500 : i1 to i32
      %sign3A_502 = arith.subi %sign3A_498, %sign3A_501 : i32
      %sign3A_503 = arith.constant 0 : i32
      %sign3A_504 = arith.cmpi sgt, %jit3A_494, %sign3A_503 : i32
      %sign3A_505 = arith.extui %sign3A_504 : i1 to i32
      %sign3A_506 = arith.constant 0 : i32
      %sign3A_507 = arith.cmpi slt, %jit3A_494, %sign3A_506 : i32
      %sign3A_508 = arith.extui %sign3A_507 : i1 to i32
      %sign3A_509 = arith.subi %sign3A_505, %sign3A_508 : i32
      %ne3A_510 = arith.cmpi ne, %sign3A_502, %sign3A_509 : i32
      %rem3A_511 = arith.remsi %add3A_493, %jit3A_494 : i32
      %ne3A_512 = arith.constant 0 : i32
      %ne3A_513 = arith.cmpi ne, %rem3A_511, %ne3A_512 : i32
      %and3A_514 = arith.andi %ne3A_510, %ne3A_513 : i1
      %sub3A_515 = arith.constant 1 : i32
      %sub3A_516 = arith.subi %div3A_495, %sub3A_515 : i32
      %select_n3A_517 = arith.select %and3A_514, %sub3A_516, %div3A_495 : i32
      %jit3A_518 = arith.constant 8 : i32
      %eq3A_519 = arith.constant 0 : i32
      %eq3A_520 = arith.cmpi eq, %jit3A_518, %eq3A_519 : i32
      %jit3A_521 = arith.constant 1 : i32
      %select_n3A_522 = arith.select %eq3A_520, %jit3A_521, %jit3A_518 : i32
      %rem3A_523 = arith.remsi %add3A_493, %select_n3A_522 : i32
      %ne3A_524 = arith.constant 0 : i32
      %ne3A_525 = arith.cmpi ne, %rem3A_523, %ne3A_524 : i32
      %lt3A_526 = arith.constant 0 : i32
      %lt3A_527 = arith.cmpi slt, %rem3A_523, %lt3A_526 : i32
      %lt3A_528 = arith.constant 0 : i32
      %lt3A_529 = arith.cmpi slt, %select_n3A_522, %lt3A_528 : i32
      %ne3A_530 = arith.xori %lt3A_527, %lt3A_529 : i1
      %and3A_531 = arith.andi %ne3A_530, %ne3A_525 : i1
      %add3A_532 = arith.addi %rem3A_523, %select_n3A_522 : i32
      %select_n3A_533 = arith.select %and3A_531, %add3A_532, %rem3A_523 : i32
      %jit3A_534 = arith.constant 4 : i32
      %eq3A_535 = arith.constant 0 : i32
      %eq3A_536 = arith.cmpi eq, %jit3A_534, %eq3A_535 : i32
      %jit3A_537 = arith.constant 1 : i32
      %select_n3A_538 = arith.select %eq3A_536, %jit3A_537, %jit3A_534 : i32
      %rem3A_539 = arith.remsi %add3A_340, %select_n3A_538 : i32
      %ne3A_540 = arith.constant 0 : i32
      %ne3A_541 = arith.cmpi ne, %rem3A_539, %ne3A_540 : i32
      %lt3A_542 = arith.constant 0 : i32
      %lt3A_543 = arith.cmpi slt, %rem3A_539, %lt3A_542 : i32
      %lt3A_544 = arith.constant 0 : i32
      %lt3A_545 = arith.cmpi slt, %select_n3A_538, %lt3A_544 : i32
      %ne3A_546 = arith.xori %lt3A_543, %lt3A_545 : i1
      %and3A_547 = arith.andi %ne3A_546, %ne3A_541 : i1
      %add3A_548 = arith.addi %rem3A_539, %select_n3A_538 : i32
      %select_n3A_549 = arith.select %and3A_547, %add3A_548, %rem3A_539 : i32
      %mul3A_550 = arith.constant 256 : i32
      %mul3A_551 = arith.muli %select_n3A_549, %mul3A_550 : i32
      %dma_start3A_552 = arith.constant 0 : i32
      %dma_start3A_553 = tpu.memref_slice %arg4[%add3A_493, %mul3A_551, %dma_start3A_552] : memref<1600x1024x128xf32, #tpu.memory_space<hbm>> -> memref<1x256x128xf32, #tpu.memory_space<hbm>>
      %dma_start3A_554 = tpu.memref_squeeze %dma_start3A_553 : memref<1x256x128xf32, #tpu.memory_space<hbm>> -> memref<256x128xf32, #tpu.memory_space<hbm>>
      %dma_start3A_555 = arith.constant 0 : i32
      %dma_start3A_556 = tpu.memref_slice %arg4[%add3A_493, %mul3A_551, %dma_start3A_555] : memref<1600x1024x128xf32, #tpu.memory_space<hbm>> -> memref<1x256x128xf32, #tpu.memory_space<hbm>>
      %dma_start3A_557 = tpu.memref_squeeze %dma_start3A_556 : memref<1x256x128xf32, #tpu.memory_space<hbm>> -> memref<256x128xf32, #tpu.memory_space<hbm>>
      tpu.enqueue_dma source(%arg9 : memref<256x128xf32, #tpu.memory_space<vmem>>) target(%dma_start3A_557 : memref<256x128xf32, #tpu.memory_space<hbm>>) target_semaphore(%arg13 : memref<!tpu.dma_semaphore, #tpu.memory_space<semaphore_mem>>)
      %add3A_558 = arith.constant 2 : i32
      %add3A_559 = arith.addi %add3A_340, %add3A_558 : i32
      %lt3A_560 = arith.constant 200 : i32
      %lt3A_561 = arith.cmpi slt, %add3A_559, %lt3A_560 : i32
      %convert_element_type3A_562 = arith.extui %lt3A_561 : i1 to i32
      %cond3A_563 = arith.constant 0 : i32
      %cond3A_564 = arith.cmpi ne, %convert_element_type3A_562, %cond3A_563 : i32
      scf.if %cond3A_564 {
        %add3A_565 = arith.constant 2 : i32
        %add3A_566 = arith.addi %add3A_340, %add3A_565 : i32
        %jit3A_567 = arith.constant 4 : i32
        %div3A_568 = arith.divsi %add3A_566, %jit3A_567 : i32
        %sign3A_569 = arith.constant 0 : i32
        %sign3A_570 = arith.cmpi sgt, %add3A_566, %sign3A_569 : i32
        %sign3A_571 = arith.extui %sign3A_570 : i1 to i32
        %sign3A_572 = arith.constant 0 : i32
        %sign3A_573 = arith.cmpi slt, %add3A_566, %sign3A_572 : i32
        %sign3A_574 = arith.extui %sign3A_573 : i1 to i32
        %sign3A_575 = arith.subi %sign3A_571, %sign3A_574 : i32
        %sign3A_576 = arith.constant 0 : i32
        %sign3A_577 = arith.cmpi sgt, %jit3A_567, %sign3A_576 : i32
        %sign3A_578 = arith.extui %sign3A_577 : i1 to i32
        %sign3A_579 = arith.constant 0 : i32
        %sign3A_580 = arith.cmpi slt, %jit3A_567, %sign3A_579 : i32
        %sign3A_581 = arith.extui %sign3A_580 : i1 to i32
        %sign3A_582 = arith.subi %sign3A_578, %sign3A_581 : i32
        %ne3A_583 = arith.cmpi ne, %sign3A_575, %sign3A_582 : i32
        %rem3A_584 = arith.remsi %add3A_566, %jit3A_567 : i32
        %ne3A_585 = arith.constant 0 : i32
        %ne3A_586 = arith.cmpi ne, %rem3A_584, %ne3A_585 : i32
        %and3A_587 = arith.andi %ne3A_583, %ne3A_586 : i1
        %sub3A_588 = arith.constant 1 : i32
        %sub3A_589 = arith.subi %div3A_568, %sub3A_588 : i32
        %select_n3A_590 = arith.select %and3A_587, %sub3A_589, %div3A_568 : i32
        %add3A_591 = arith.addi %mul3A_2, %select_n3A_590 : i32
        %jit3A_592 = arith.constant 8 : i32
        %div3A_593 = arith.divsi %add3A_591, %jit3A_592 : i32
        %sign3A_594 = arith.constant 0 : i32
        %sign3A_595 = arith.cmpi sgt, %add3A_591, %sign3A_594 : i32
        %sign3A_596 = arith.extui %sign3A_595 : i1 to i32
        %sign3A_597 = arith.constant 0 : i32
        %sign3A_598 = arith.cmpi slt, %add3A_591, %sign3A_597 : i32
        %sign3A_599 = arith.extui %sign3A_598 : i1 to i32
        %sign3A_600 = arith.subi %sign3A_596, %sign3A_599 : i32
        %sign3A_601 = arith.constant 0 : i32
        %sign3A_602 = arith.cmpi sgt, %jit3A_592, %sign3A_601 : i32
        %sign3A_603 = arith.extui %sign3A_602 : i1 to i32
        %sign3A_604 = arith.constant 0 : i32
        %sign3A_605 = arith.cmpi slt, %jit3A_592, %sign3A_604 : i32
        %sign3A_606 = arith.extui %sign3A_605 : i1 to i32
        %sign3A_607 = arith.subi %sign3A_603, %sign3A_606 : i32
        %ne3A_608 = arith.cmpi ne, %sign3A_600, %sign3A_607 : i32
        %rem3A_609 = arith.remsi %add3A_591, %jit3A_592 : i32
        %ne3A_610 = arith.constant 0 : i32
        %ne3A_611 = arith.cmpi ne, %rem3A_609, %ne3A_610 : i32
        %and3A_612 = arith.andi %ne3A_608, %ne3A_611 : i1
        %sub3A_613 = arith.constant 1 : i32
        %sub3A_614 = arith.subi %div3A_593, %sub3A_613 : i32
        %select_n3A_615 = arith.select %and3A_612, %sub3A_614, %div3A_593 : i32
        %jit3A_616 = arith.constant 8 : i32
        %eq3A_617 = arith.constant 0 : i32
        %eq3A_618 = arith.cmpi eq, %jit3A_616, %eq3A_617 : i32
        %jit3A_619 = arith.constant 1 : i32
        %select_n3A_620 = arith.select %eq3A_618, %jit3A_619, %jit3A_616 : i32
        %rem3A_621 = arith.remsi %add3A_591, %select_n3A_620 : i32
        %ne3A_622 = arith.constant 0 : i32
        %ne3A_623 = arith.cmpi ne, %rem3A_621, %ne3A_622 : i32
        %lt3A_624 = arith.constant 0 : i32
        %lt3A_625 = arith.cmpi slt, %rem3A_621, %lt3A_624 : i32
        %lt3A_626 = arith.constant 0 : i32
        %lt3A_627 = arith.cmpi slt, %select_n3A_620, %lt3A_626 : i32
        %ne3A_628 = arith.xori %lt3A_625, %lt3A_627 : i1
        %and3A_629 = arith.andi %ne3A_628, %ne3A_623 : i1
        %add3A_630 = arith.addi %rem3A_621, %select_n3A_620 : i32
        %select_n3A_631 = arith.select %and3A_629, %add3A_630, %rem3A_621 : i32
        %jit3A_632 = arith.constant 4 : i32
        %eq3A_633 = arith.constant 0 : i32
        %eq3A_634 = arith.cmpi eq, %jit3A_632, %eq3A_633 : i32
        %jit3A_635 = arith.constant 1 : i32
        %select_n3A_636 = arith.select %eq3A_634, %jit3A_635, %jit3A_632 : i32
        %rem3A_637 = arith.remsi %add3A_566, %select_n3A_636 : i32
        %ne3A_638 = arith.constant 0 : i32
        %ne3A_639 = arith.cmpi ne, %rem3A_637, %ne3A_638 : i32
        %lt3A_640 = arith.constant 0 : i32
        %lt3A_641 = arith.cmpi slt, %rem3A_637, %lt3A_640 : i32
        %lt3A_642 = arith.constant 0 : i32
        %lt3A_643 = arith.cmpi slt, %select_n3A_636, %lt3A_642 : i32
        %ne3A_644 = arith.xori %lt3A_641, %lt3A_643 : i1
        %and3A_645 = arith.andi %ne3A_644, %ne3A_639 : i1
        %add3A_646 = arith.addi %rem3A_637, %select_n3A_636 : i32
        %select_n3A_647 = arith.select %and3A_645, %add3A_646, %rem3A_637 : i32
        %mul3A_648 = arith.constant 32 : i32
        %mul3A_649 = arith.muli %select_n3A_647, %mul3A_648 : i32
        %dma_start3A_650 = arith.constant 0 : i32
        %dma_start3A_651 = tpu.memref_slice %arg2[%select_n3A_615, %mul3A_649, %dma_start3A_650] : memref<200x128x128xi32, #tpu.memory_space<hbm>> -> memref<1x32x128xi32, #tpu.memory_space<hbm>>
        %dma_start3A_652 = tpu.memref_squeeze %dma_start3A_651 : memref<1x32x128xi32, #tpu.memory_space<hbm>> -> memref<32x128xi32, #tpu.memory_space<hbm>>
        %dma_start3A_653 = arith.constant 0 : i32
        %dma_start3A_654 = tpu.memref_slice %arg2[%select_n3A_615, %mul3A_649, %dma_start3A_653] : memref<200x128x128xi32, #tpu.memory_space<hbm>> -> memref<1x32x128xi32, #tpu.memory_space<hbm>>
        %dma_start3A_655 = tpu.memref_squeeze %dma_start3A_654 : memref<1x32x128xi32, #tpu.memory_space<hbm>> -> memref<32x128xi32, #tpu.memory_space<hbm>>
        tpu.enqueue_dma source(%dma_start3A_655 : memref<32x128xi32, #tpu.memory_space<hbm>>) target(%arg7 : memref<32x128xi32, #tpu.memory_space<vmem>>) target_semaphore(%arg11 : memref<!tpu.dma_semaphore, #tpu.memory_space<semaphore_mem>>)
      } else {
      }
    }
    %scan3A_95 = arith.constant 100 : i32
    %dma_wait3A = arith.constant 0 : i32
    %dma_wait3A_96 = arith.constant 0 : i32
    %dma_wait3A_97 = arith.constant 0 : i32
    %dma_wait3A_98 = tpu.memref_slice %arg4[%dma_wait3A, %dma_wait3A_96, %dma_wait3A_97] : memref<1600x1024x128xf32, #tpu.memory_space<hbm>> -> memref<1x256x128xf32, #tpu.memory_space<hbm>>
    %dma_wait3A_99 = tpu.memref_squeeze %dma_wait3A_98 : memref<1x256x128xf32, #tpu.memory_space<hbm>> -> memref<256x128xf32, #tpu.memory_space<hbm>>
    %dma_wait3A_100 = arith.constant 0 : i32
    %dma_wait3A_101 = arith.constant 0 : i32
    %dma_wait3A_102 = tpu.memref_slice %arg4[%dma_wait3A, %dma_wait3A_100, %dma_wait3A_101] : memref<1600x1024x128xf32, #tpu.memory_space<hbm>> -> memref<1x256x128xf32, #tpu.memory_space<hbm>>
    %dma_wait3A_103 = tpu.memref_squeeze %dma_wait3A_102 : memref<1x256x128xf32, #tpu.memory_space<hbm>> -> memref<256x128xf32, #tpu.memory_space<hbm>>
    tpu.wait_dma2 semaphore(%arg12 : memref<!tpu.dma_semaphore, #tpu.memory_space<semaphore_mem>>) src(%arg8 : memref<256x128xf32, #tpu.memory_space<vmem>>) dst(%dma_wait3A_103 : memref<256x128xf32, #tpu.memory_space<hbm>>)
    %dma_wait3A_104 = arith.constant 0 : i32
    %dma_wait3A_105 = arith.constant 0 : i32
    %dma_wait3A_106 = arith.constant 0 : i32
    %dma_wait3A_107 = tpu.memref_slice %arg4[%dma_wait3A_104, %dma_wait3A_105, %dma_wait3A_106] : memref<1600x1024x128xf32, #tpu.memory_space<hbm>> -> memref<1x256x128xf32, #tpu.memory_space<hbm>>
    %dma_wait3A_108 = tpu.memref_squeeze %dma_wait3A_107 : memref<1x256x128xf32, #tpu.memory_space<hbm>> -> memref<256x128xf32, #tpu.memory_space<hbm>>
    %dma_wait3A_109 = arith.constant 0 : i32
    %dma_wait3A_110 = arith.constant 0 : i32
    %dma_wait3A_111 = tpu.memref_slice %arg4[%dma_wait3A_104, %dma_wait3A_109, %dma_wait3A_110] : memref<1600x1024x128xf32, #tpu.memory_space<hbm>> -> memref<1x256x128xf32, #tpu.memory_space<hbm>>
    %dma_wait3A_112 = tpu.memref_squeeze %dma_wait3A_111 : memref<1x256x128xf32, #tpu.memory_space<hbm>> -> memref<256x128xf32, #tpu.memory_space<hbm>>
    tpu.wait_dma2 semaphore(%arg13 : memref<!tpu.dma_semaphore, #tpu.memory_space<semaphore_mem>>) src(%arg9 : memref<256x128xf32, #tpu.memory_space<vmem>>) dst(%dma_wait3A_112 : memref<256x128xf32, #tpu.memory_space<hbm>>)
    return
  }
}

</mosaic_0001>

<sc_bundles>
// kernel: kernel.3.cloned.1.call-start
scs
__scs_entry_jumppad:
0x0: {  	(pc) =	sbr.rel $0x88, $3  }
0x1: {  	(tag) =	ssettag $0x0;
	lr =	simm.s32 $0x1  }
0x2: {  	[smem:$0x3F9F] =	sst lr;
	_ =	strace $0xD0000000  }
0x3: {  	_ = 	snop  }
0x4: {  	_ = 	snop  }
0x5: {  	_ = 	snop  }
0x6: {  	_ = 	snop  }
0x7: {  	_ = 	snop  }
__scs_overlays_trampoline_lowered:
0x8: {  	[smem:$0x3FAE] =	sst s0  }
0x9: {  	[smem:$0x3FAF] =	sst s1  }
0xa: {  	[smem:$0x3FB0] =	sst s2  }
0xb: {  	[smem:$0x3FB1] =	sst s3  }
0xc: {  	[smem:$0x3FB2] =	sst s4  }
0xd: {  	[smem:$0x3FB3] =	sst s5  }
0xe: {  	[smem:$0x3FB4] =	sst s6  }
0xf: {  	[smem:$0x3FB5] =	sst s7  }
0x10: {  	[smem:$0x3FB6] =	sst s8  }
0x11: {  	[smem:$0x3FB7] =	sst s9;
	s0 =	simm.s32 @!p0 $0x0  }
0x12: {  	s1 =	sld [smem:$0x3F9D];
	s0 =	simm.s32 @p0 $0x1  }
0x13: {  	[smem:$0x3FB8] =	sst s0;
	s0 =	simm.s32 @!p1 $0x0  }
0x14: {  	s2 =	sld [smem:$0x3F9C];
	s0 =	simm.s32 @p1 $0x1  }
0x15: {  	[smem:$0x3FB9] =	sst s0;
	s0 =	simm.s32 @!p2 $0x0  }
0x16: {  	s3 =	sld [smem:$0x3FDB];
	s0 =	simm.s32 @p2 $0x1  }
0x17: {  	s4 =	simm.s32 $0x1BF5;
	[smem:$0x3FBB] =	sst s0  }
0x18: {  	s0 =	sld [smem:$0x3F9E];
	_ =	swait.ge [sflag:s4], $0x0  }
0x19: {  	s7 =	sld [smem:$0x3F9F]  }
0x1a: {  	s8 =	sadd.s32 $0xFFFFE003, lr  }
0x1b: {  	s9 =	sadd.s32 $0xFFFFFEF7, lr;
	s5 =	simm.s32 $0xFFFFFFFF;
	p2 =	slt.u32 s8, $0xFFFFF086  }
0x1c: {  	p1 =	slt.u32 s9, $0xF7A;
	s5 =	simm.s32 @!p2 $0x0  }
0x1d: {  	s5 =	simm.s32 @p1 $0x1;
	p0 =	seq.s32 s7, s2  }
0x1e: {  	s7 =	smul.u32 @!p0 $0xF7A, s2;
	p2 =	seq.s32 @!p0 s5, $0x0  }
0x1f: {  	s9 =	smul.u32 $0xF7A, s1;
	s8 =	simm.s32 @!p0 $0x1BF5;
	p2 =	por !p2, p0  }
0x20: {  	[sflag:s8] =	ssyncset.s32 @!p0 $0xFFFFF086;
	s6 =	sadd.s32 @!p0 s3, s7;
	s7 =	simm.s32 @!p0 $0x108  }
0x21: {  	s3 =	sadd.s32 s3, s9;
	s6 =	sadd.s32 @!p0 $0x88, s6;
	s7 =	simm.s32 @p2 $0x1082  }
0x22: {  	[simem:s7], [sflag:s8] =	dma.local @!p0 [hbm:s6], $0xF7A  }
0x23: {  	s9 =	sor.u32 $0xD0000000, s2;
	s6 =	simm.s32 $0x108;
	_ =	swait.ge @!p0 [sflag:s8], $0x0  }
0x24: {  	s3 =	sadd.s32 $0x88, s3;
	s6 =	simm.s32 @!p1 $0x1082;
	[sflag:s4] =	ssyncset.s32 $0xFFFFF086  }
0x25: {  	[simem:s6], [sflag:s4] =	dma.local [hbm:s3], $0xF7A  }
0x26: {  	[smem:$0x3F9F] =	sst s1;
	(tag) =	ssettag s2;
	_ =	strace s9  }
0x27: {  	s1 =	sld [smem:$0x3FAF]  }
0x28: {  	s2 =	sld [smem:$0x3FB0]  }
0x29: {  	s4 =	sld [smem:$0x3FB2]  }
0x2a: {  	p0 =	seq.s32 s5, $0x0;
	s5 =	sld [smem:$0x3FB3]  }
0x2b: {  	s6 =	sld [smem:$0x3FB4]  }
0x2c: {  	s7 =	sld [smem:$0x3FB5]  }
0x2d: {  	s3 =	simm.s32 $0x108;
	s8 =	sld [smem:$0x3FB6]  }
0x2e: {  	s3 =	simm.s32 @!p0 $0x1082;
	s9 =	sld [smem:$0x3FB7]  }
0x2f: {  	lr =	sadd.s32 s0, s3;
	s0 =	sld [smem:$0x3FAE]  }
0x30: {  	s3 =	sld [smem:$0x3FB1]  }
0x31: {  	[smem:$0x3FBA] =	sst s10  }
0x32: {  	s10 =	sld [smem:$0x3FB8];
	_ =	sdelay $0x3  }
0x33: {  	p0 =	seq.s32 s10, $0x1;
	s10 =	sld [smem:$0x3FBA];
	_ =	sdelay $0x3  }
0x34: {  	[smem:$0x3FBA] =	sst s10  }
0x35: {  	s10 =	sld [smem:$0x3FB9];
	_ =	sdelay $0x3  }
0x36: {  	p1 =	seq.s32 s10, $0x1;
	s10 =	sld [smem:$0x3FBA];
	_ =	sdelay $0x3  }
0x37: {  	[smem:$0x3FBA] =	sst s10  }
0x38: {  	s10 =	sld [smem:$0x3FBB]  }
0x39: {  	_ = 	snop;
	(pc) =	sbr.ind lr, $3  }
0x3a: {  	_ = 	snop  }
0x3b: {  	_ = 	snop  }
0x3c: {  	p2 =	seq.s32 s10, $0x1;
	s10 =	sld [smem:$0x3FBA]  }
0x3d: {  	_ =	shalt  }
0x3e: {  	_ =	shalt  }
0x3f: {  	_ =	shalt  }
0x40: {  	_ =	shalt  }
0x41: {  	_ =	shalt  }
0x42: {  	_ =	shalt  }
0x43: {  	_ =	shalt  }
0x44: {  	_ =	shalt  }
0x45: {  	_ =	shalt  }
0x46: {  	_ =	shalt  }
0x47: {  	_ =	shalt  }
0x48: {  	_ =	shalt  }
0x49: {  	_ =	shalt  }
0x4a: {  	_ =	shalt  }
0x4b: {  	_ =	shalt  }
0x4c: {  	_ =	shalt  }
0x4d: {  	_ =	shalt  }
0x4e: {  	_ =	shalt  }
0x4f: {  	_ =	shalt  }
0x50: {  	_ =	shalt  }
0x51: {  	_ =	shalt  }
0x52: {  	_ =	shalt  }
0x53: {  	_ =	shalt  }
0x54: {  	_ =	shalt  }
0x55: {  	_ =	shalt  }
0x56: {  	_ =	shalt  }
0x57: {  	_ =	shalt  }
0x58: {  	_ =	shalt  }
0x59: {  	_ =	shalt  }
0x5a: {  	_ =	shalt  }
0x5b: {  	_ =	shalt  }
0x5c: {  	_ =	shalt  }
0x5d: {  	_ =	shalt  }
0x5e: {  	_ =	shalt  }
0x5f: {  	_ =	shalt  }
0x60: {  	_ =	shalt  }
0x61: {  	_ =	shalt  }
0x62: {  	_ =	shalt  }
0x63: {  	_ =	shalt  }
0x64: {  	_ =	shalt  }
0x65: {  	_ =	shalt  }
0x66: {  	_ =	shalt  }
0x67: {  	_ =	shalt  }
0x68: {  	_ =	shalt  }
0x69: {  	_ =	shalt  }
0x6a: {  	_ =	shalt  }
0x6b: {  	_ =	shalt  }
0x6c: {  	_ =	shalt  }
0x6d: {  	_ =	shalt  }
0x6e: {  	_ =	shalt  }
0x6f: {  	_ =	shalt  }
0x70: {  	_ =	shalt  }
0x71: {  	_ =	shalt  }
0x72: {  	_ =	shalt  }
0x73: {  	_ =	shalt  }
0x74: {  	_ =	shalt  }
0x75: {  	_ =	shalt  }
0x76: {  	_ =	shalt  }
0x77: {  	_ =	shalt  }
0x78: {  	_ =	shalt  }
0x79: {  	_ =	shalt  }
0x7a: {  	_ =	shalt  }
0x7b: {  	_ =	shalt  }
0x7c: {  	_ =	shalt  }
0x7d: {  	_ =	shalt  }
0x7e: {  	_ =	shalt  }
0x7f: {  	_ =	shalt  }
0x80: {  	_ =	shalt  }
0x81: {  	_ =	shalt  }
0x82: {  	_ =	shalt  }
0x83: {  	_ =	shalt  }
0x84: {  	_ =	shalt  }
0x85: {  	_ =	shalt  }
0x86: {  	_ =	shalt  }
0x87: {  	_ =	shalt  }
.Lfunc_end0:
.L_simem_size_0:
called_computation_lowered:
.L_overlay_start_0:
0x88: {  	s2 =	sld [smem:$0x3FD9]  }
0x89: {  	s3 =	sld [smem:$0x3FFE];
	_ =	sdelay $0x1  }
0x8a: {  	s1 =	srdreg.scid  }
0x8b: {  	s0 =	sand.u32 $0x1, s1  }
0x8c: {  	s17 =	sshll.u32 s0, $0xA;
	s2 =	sadd.s32 s3, s2  }
0x8d: {  	s2 =	sadd.s32 s2, s17  }
0x8e: {  	[smem:$0x3FC6] =	sst s2  }
0x8f: {  	_ = 	snop  }
0x90: {  	s2 =	sld [smem:$0x3FD0];
	(tm) =	ssettm $0x1  }
0x91: {  	s18 =	sld [smem:$0x3FFB];
	_ =	sdelay $0x3  }
0x92: {  	_ =	strace s18  }
0x93: {  	s3 =	sld [smem:$0x3FFC];
	_ =	sdelay $0x3  }
0x94: {  	_ =	strace s3  }
0x95: {  	s3 =	sld [smem:$0x3FFD];
	_ =	sdelay $0x3  }
0x96: {  	_ =	strace s3  }
0x97: {  	_ =	strace $0x8FFFFFFF  }
0x98: {  	s19 =	sld [smem:$0x3FDB];
	_ =	sdelay $0x1  }
0x99: {  	s4 =	simm.s32 $_scs_section_size  }
0x9a: {  	s5 =	simm.s32 $_size__tile_overlayer_lowered;
	s6 =	simm.s32 $_tile_overlayer_lowered  }
0x9b: {  	s22 =	simm.s32 $0x1BFF;
	s21 =	sshll.u32 s6, $0x1;
	s3 =	sadd.s32 s4, s19  }
0x9c: {  	s7 =	simm.s32 $0x0;
	s20 =	sshll.u32 s5, $0x1;
	s5 =	sadd.s32 s21, s3  }
0x9d: {  	[timem:s7], [sflag:s22] =	dma.local [hbm:s5], s20  }
0x9e: {  	_ =	swait.ge [sflag:s22], s20  }
0x9f: {  	s4 =	ssub.s32 $0x0, s20;
	[sflag:s22] =	ssyncset.done $0x0  }
0xa0: {  	[sflag:s22] =	ssyncadd.s32 s4;
	_ =	sdelay $0x1  }
0xa1: {  	s23 =	simm.s32 $0x1B8B  }
0xa2: {  	_ =	swait.ge [sflag:s23], $0x1  }
0xa3: {  	[sflag:s23] =	ssyncset.done $0x0  }
0xa4: {  	s25 =	simm.s32 $0x1B8E;
	s24 =	sld [smem:$0x3FFE];
	[sflag:s23] =	ssyncadd.s32 $0xFFFFFFFF  }
0xa5: {  	s26 =	simm.s32 $execute0_lowered;
	[smem:$0x3FD2] =	sst s25  }
0xa6: {  	s5 =	sshll.u32 s26, $0x1;
	_ =	strace $0x80000046;
	[dreg:$0x1] =	wrdreg $0xFFFFFFFF  }
0xa7: {  	s28 =	simm.s32 $_size_execute0_lowered;
	s3 =	sadd.s32 s3, s5;
	[dreg:$0x0] =	wrdreg $0x0  }
0xa8: {  	s5 =	sshll.u32 s28, $0x1;
	[dreg:$0x2] =	wrdreg s3  }
0xa9: {  	[dreg:$0x3] =	wrdreg s5  }
0xaa: {  	[dreg:$0x4] =	wrdreg $0xC0  }
0xab: {  	_ =	task [dreg:s7], $0x5FFFF  }
0xac: {  	[dreg:$0x1] =	wrdreg $0xFFFFFFFF  }
0xad: {  	[dreg:$0x0] =	wrdreg $0x60  }
0xae: {  	[dreg:$0x2] =	wrdreg s24  }
0xaf: {  	[dreg:$0x3] =	wrdreg s2  }
0xb0: {  	[dreg:$0x4] =	wrdreg $0x9  }
0xb1: {  	_ =	task.clear_ibuf [dreg:s7], $0x5FFFF;
	_ =	strace $0x90000046  }
0xb2: {  	s29 =	simm.s32 $0x9;
	_ =	strace $0x80000048  }
0xb3: {  	_ =	swait.ge [sflag:s29], $0x1  }
0xb4: {  	[sflag:s29] =	ssyncadd.s32 $0xFFFFFFFF  }
0xb5: {  	_ =	strace $0x90000048  }
0xb6: {  	_ =	sfence  }
0xb7: {  	s30 =	sld [smem:$0x0];
	_ =	sdelay $0x2  }
0xb8: {  	s31 =	sshll.u32 s1, $0xD;
	s1 =	sshrl.u32 s1, $0x2  }
0xb9: {  	s3 =	sand.u32 $0x4000, s31;
	s1 =	sadd.s32 s1, s30  }
0xba: {  	s0 =	sor.u32 s3, s0;
	s1 =	sshll.u32 s1, $0x11  }
0xbb: {  	s0 =	sor.u32 s1, s0  }
0xbc: {  	s0 =	sadd.s32 $0x8F2B, s0  }
0xbd: {  	[sflag:s0] =	ssyncadd.remote.s32 $0x1  }
0xbe: {  	_ =	sfence.sel $0xFFFF  }
0xbf: {  	[dreg:$0x0] =	wrdreg $0xFFFFFFFF;
	(pc) =	sbr.abs _section_cstart, $3  }
0xc0: {  	[dreg:$0x1] =	wrdreg $0xFFFFFFFF  }
0xc1: {  	_ =	task.clear_ibuf [dreg:s7], $0x2FFFF;
	_ =	strace $0x9FFFFFFF  }
0xc2: {  	(tm) =	ssettm $0x7FFFFFFF  }
0xc3: {  	_ =	shalt  }
tec
execute0_lowered:
.L_overlay_start_1:
0x0: {  	(tag) =	ssettag $0x1  }
0x1: {  	s0 =	rddreg [dreg:$0x0];
	s1 =	srdreg.scid  }
0x2: {  	s3 =	stileid.u32;
	s2 =	rddreg [dreg:$0x1]  }
0x3: {  	s11 =	simm.s32 $0x6000;
	s12 =	simm.s32 $0x7000;
	s13 =	simm.s32 $0x1  }
0x4: {  	s1 =	sand.u32 $0x1, s1;
	s4 =	sshll.u32 s3, $0x1;
	s3 =	simm.s32 $0x0  }
0x5: {  	s14 =	simm.s32 $0x8000;
	s5 =	sor.u32 s1, s4;
	[smem:$0x7FF] =	sst s3  }
0x6: {  	s4 =	sadd.s32 $0x600, s0;
	s1 =	ssub.s32 $0x2, s1;
	s0 =	sadd.s32 $0x64600, s0  }
0x7: {  	s6 =	smul.u32 $0x3200, s5;
	_ =	strace $0x80000047;
	s30 =	sshrl.u32 s1, $0x1  }
.Ltmp0:
0x8: {  	[dreg:$0x3] =	wrdreg s0;
	s0 =	ssub.s32 s1, s30;
	(pc) =	sbr.rel .LBB2_1-.Ltmp0, $4  }
0x9: {  	s15 =	simm.s32 $0x2;
	s7 =	sand.u32 $0x7F800, s6;
	s0 =	smax.u32 s0, $0x1  }
0xa: {  	s16 =	simm.s32 $0x4;
	s31 =	sadd.s32 s4, s7;
	[dreg:$0x6] =	wrdreg s0  }
0xb: {  	s17 =	simm.s32 $0x10000;
	[dreg:$0x4] =	wrdreg s31;
	s1 =	sadd.s32 $0x200, s31  }
0xc: {  	s19 =	simm.s32 $0x0;
	s6 =	smul.u32 $0x32, s5;
	[dreg:$0x5] =	wrdreg s1  }
.LBB2_12:
0xd: {  	s0 =	simm.s32 $0x3  }
0xe: {  	_ =	swait.ge [sflag:s0], $0x8000  }
0xf: {  	[sflag:s0] =	ssyncset.done $0x0  }
0x10: {  	[sflag:s0] =	ssyncadd.s32 $0xFFFF8000  }
0x11: {  	_ =	swait.ge [sflag:s16], $0x8000  }
0x12: {  	s19 =	sadd.s32 $0x1, s19;
	s31 =	rddreg [dreg:$0x6]  }
0x13: {  	p0 =	sne.s32 s19, s31  }
.Ltmp1:
0x14: {  	_ = 	snop;
	(pc) =	sbr.rel @!p0 .LBB2_13-.Ltmp1, $3  }
0x15: {  	_ =	sdelay $0x1  }
0x16: {  	[sflag:s16] =	ssyncset.done $0x0  }
0x17: {  	[sflag:s16] =	ssyncadd.s32 $0xFFFF8000  }
.LBB2_1:
0x18: {  	s0 =	rddreg [dreg:$0x3];
	s29 =	simm.s32 $0x5  }
0x19: {  	[tilespmem:s3], [sflag:$0x5] =	stream.linear.gather [hbm4b:s0+s3], $0x6000, $0x38;
	[tilespmem:$0x18000] =	vst v63  }
0x1a: {  	_ =	swait.ge [sflag:s29], $0x6000  }
0x1b: {  	[sflag:s29] =	ssyncset.done $0x0  }
0x1c: {  	s30 =	rddreg [dreg:$0x4];
	[sflag:s29] =	ssyncadd.s32 $0xFFFFA000  }
0x1d: {  	[tilespmem:s11], [sflag:$0x1] =	stream.linear.gather [hbm4b:s30+s3], $0x1000, $0x38;
	[tilespmem:$0x18000] =	vst v63  }
0x1e: {  	s20 =	simm.s32 $0x0;
	s31 =	rddreg [dreg:$0x5]  }
0x1f: {  	[tilespmem:s12], [sflag:$0x2] =	stream.linear.gather [hbm4b:s31+s3], $0x1000, $0x38;
	[tilespmem:$0x18000] =	vst v63  }
.LBB2_2:
0x20: {  	_ =	swait.ge [sflag:s13], $0x1000  }
0x21: {  	p0 =	seq.s32 s20, $0x0;
	s1 =	sshrl.u32 s20, $0x1;
	[sflag:s13] =	ssyncset.done $0x0  }
0x22: {  	s5 =	simm.s32 $0x0;
	s0 =	simm.s32 @!p0 $0x3;
	[sflag:s13] =	ssyncadd.s32 $0xFFFFF000  }
0x23: {  	s7 =	simm.s32 $0x0;
	s22 =	sadd.s32 s6, s1;
	_ =	swait.ge @!p0 [sflag:s0], $0x8000  }
0x24: {  	s25 =	sand.u32 $0x70, s5;
	s26 =	sand.u32 $0x3FFFFF80, s7;
	[sflag:s0] =	ssyncset.done @!p0 $0x0  }
0x25: {  	s7 =	sshll.u32 s22, $0x3;
	s5 =	sor.u32 s25, s26;
	[sflag:s0] =	ssyncadd.s32 @!p0 $0xFFFF8000  }
0x26: {  	s0 =	sand.u32 $0x38, s7;
	v1 =	vld [tilespmem:s5+$0x6000]  }
0x27: {  	v0 =	vmov s0  }
0x28: {  	v0 =	vshrl.u32 v0, $0x3  }
0x29: {  	v0 =	vmul.u32 $0xC00, v0;
	_ =	sdelay $0x1  }
0x2a: {  	s8 =	simm.s32 $0x10;
	s9 =	simm.s32 $0x10;
	v0 =	vbroadcast v0, $0x0;
	v2 =	vshll.u32 v1, $0x3  }
0x2b: {  	s5 =	sand.u32 $0x70, s9;
	s0 =	sand.u32 $0x3FFFFF80, s8;
	v2 =	vand.u32 $0xFFFFFC00, v2  }
0x2c: {  	s0 =	sor.u32 s5, s0;
	v1 =	vand.u32 $0x7F, v1;
	v2 =	vadd.s32 v0, v2  }
0x2d: {  	v3 =	vld [tilespmem:s0+$0x6000];
	v6 =	vor.u32 v1, v2;
	_ =	sdelay $0x4  }
0x2e: {  	s10 =	simm.s32 $0x20;
	s18 =	simm.s32 $0x20;
	v2 =	vshll.u32 v3, $0x3;
	v1 =	vld.idx.msk [tilespmem:v6+s3+$0x0], $0xffff  }
0x2f: {  	s7 =	sand.u32 $0x70, s18;
	s0 =	sand.u32 $0x3FFFFF80, s10;
	v2 =	vand.u32 $0xFFFFFC00, v2;
	v4 =	vor.u32 $0x80, v6  }
0x30: {  	s8 =	simm.s32 $0x0;
	s0 =	sor.u32 s7, s0;
	v3 =	vand.u32 $0x7F, v3;
	v2 =	vadd.s32 v0, v2  }
0x31: {  	s21 =	sand.u32 $0x3FFFFC00, s8;
	v5 =	vld [tilespmem:s0+$0x6000];
	v2 =	vor.u32 v3, v2  }
0x32: {  	s25 =	sor.u32 s25, s21  }
0x33: {  	[tilespmem:s25+$0x8000] =	vst v1  }
0x34: {  	v3 =	vld.idx.msk [tilespmem:v4+s3+$0x0], $0xffff  }
0x35: {  	s23 =	simm.s32 $0x30;
	s24 =	simm.s32 $0x30;
	v4 =	vor.u32 $0x100, v6  }
0x36: {  	s1 =	sand.u32 $0x70, s24;
	s0 =	sand.u32 $0x3FFFFF80, s23;
	v7 =	vld.idx.msk [tilespmem:v2+s3+$0x0], $0xffff;
	v1 =	vshll.u32 v5, $0x3  }
0x37: {  	s0 =	sor.u32 s1, s0;
	v8 =	vor.u32 $0x80, v2;
	v1 =	vand.u32 $0xFFFFFC00, v1  }
0x38: {  	s26 =	simm.s32 $0x80;
	v9 =	vld [tilespmem:s0+$0x6000];
	v5 =	vand.u32 $0x7F, v5;
	v1 =	vadd.s32 v0, v1  }
0x39: {  	s0 =	sand.u32 $0x3FFFFC00, s26;
	v1 =	vor.u32 v5, v1;
	[tilespmem:s25+$0x8080] =	vst v3  }
0x3a: {  	s24 =	sor.u32 s5, s0;
	v3 =	vld.idx.msk [tilespmem:v4+s3+$0x0], $0xffff  }
0x3b: {  	[tilespmem:s24+$0x8000] =	vst v7;
	v4 =	vor.u32 $0x180, v6  }
0x3c: {  	s9 =	simm.s32 $0x40;
	s8 =	simm.s32 $0x40;
	v5 =	vld.idx.msk [tilespmem:v8+s3+$0x0], $0xffff  }
0x3d: {  	s0 =	sand.u32 $0x70, s9;
	s5 =	sand.u32 $0x3FFFFF80, s8;
	v7 =	vor.u32 $0x100, v2;
	v8 =	vshll.u32 v9, $0x3  }
0x3e: {  	s5 =	sor.u32 s0, s5;
	v8 =	vand.u32 $0xFFFFFC00, v8;
	v10 =	vld.idx.msk [tilespmem:v1+s3+$0x0], $0xffff  }
0x3f: {  	v11 =	vld [tilespmem:s5+$0x6000];
	v12 =	vor.u32 $0x80, v1;
	v8 =	vadd.s32 v0, v8;
	[tilespmem:s25+$0x8100] =	vst v3;
	v3 =	vand.u32 $0x7F, v9  }
0x40: {  	s10 =	simm.s32 $0x100;
	v4 =	vld.idx.msk [tilespmem:v4+s3+$0x0], $0xffff;
	v3 =	vor.u32 v3, v8  }
0x41: {  	s5 =	sand.u32 $0x3FFFFC00, s10;
	[tilespmem:s24+$0x8080] =	vst v5;
	v5 =	vor.u32 $0x200, v6  }
0x42: {  	s23 =	sor.u32 s7, s5;
	v7 =	vld.idx.msk [tilespmem:v7+s3+$0x0], $0xffff  }
0x43: {  	[tilespmem:s23+$0x8000] =	vst v10;
	v8 =	vor.u32 $0x180, v2  }
0x44: {  	s18 =	simm.s32 $0x50;
	s21 =	simm.s32 $0x50;
	v9 =	vld.idx.msk [tilespmem:v12+s3+$0x0], $0xffff  }
0x45: {  	s29 =	sand.u32 $0x70, s21;
	s5 =	sand.u32 $0x3FFFFF80, s18;
	v12 =	vor.u32 $0x100, v1;
	v10 =	vld.idx.msk [tilespmem:v3+s3+$0x0], $0xffff;
	[tilespmem:s25+$0x8180] =	vst v4;
	v4 =	vshll.u32 v11, $0x3  }
0x46: {  	s5 =	sor.u32 s29, s5;
	v13 =	vor.u32 $0x80, v3;
	v5 =	vld.idx.msk [tilespmem:v5+s3+$0x0], $0xffff;
	v4 =	vand.u32 $0xFFFFFC00, v4  }
0x47: {  	s26 =	simm.s32 $0x180;
	v14 =	vld [tilespmem:s5+$0x6000];
	[tilespmem:s24+$0x8100] =	vst v7;
	v7 =	vand.u32 $0x7F, v11;
	v11 =	vor.u32 $0x280, v6;
	v4 =	vadd.s32 v0, v4  }
0x48: {  	s5 =	sand.u32 $0x3FFFFC00, s26;
	v8 =	vld.idx.msk [tilespmem:v8+s3+$0x0], $0xffff;
	v4 =	vor.u32 v7, v4  }
0x49: {  	s26 =	sor.u32 s1, s5;
	[tilespmem:s23+$0x8080] =	vst v9;
	v7 =	vor.u32 $0x200, v2  }
0x4a: {  	v9 =	vld.idx.msk [tilespmem:v12+s3+$0x0], $0xffff;
	[tilespmem:s26+$0x8000] =	vst v10  }
0x4b: {  	v12 =	vor.u32 $0x180, v1;
	v10 =	vld.idx.msk [tilespmem:v13+s3+$0x0], $0xffff;
	[tilespmem:s25+$0x8200] =	vst v5  }
0x4c: {  	s8 =	simm.s32 $0x60;
	s7 =	simm.s32 $0x60;
	v13 =	vor.u32 $0x100, v3;
	v11 =	vld.idx.msk [tilespmem:v11+s3+$0x0], $0xffff  }
0x4d: {  	s30 =	sand.u32 $0x70, s8;
	s1 =	sand.u32 $0x3FFFFF80, s7;
	[tilespmem:s24+$0x8180] =	vst v8;
	v8 =	vor.u32 $0x300, v6;
	v16 =	vld.idx.msk [tilespmem:v4+s3+$0x0], $0xffff  }
0x4e: {  	s1 =	sor.u32 s30, s1;
	v5 =	vshll.u32 v14, $0x3;
	v17 =	vld.idx.msk [tilespmem:v7+s3+$0x0], $0xffff  }
0x4f: {  	s9 =	simm.s32 $0x200;
	v15 =	vld [tilespmem:s1+$0x6000];
	v5 =	vand.u32 $0xFFFFFC00, v5;
	[tilespmem:s23+$0x8100] =	vst v9;
	v7 =	vor.u32 $0x80, v4  }
0x50: {  	s31 =	simm.s32 $0x70;
	s10 =	simm.s32 $0x70;
	s1 =	sand.u32 $0x3FFFFC00, s9;
	v9 =	vand.u32 $0x7F, v14;
	v14 =	vor.u32 $0x280, v2;
	v5 =	vadd.s32 v0, v5;
	v12 =	vld.idx.msk [tilespmem:v12+s3+$0x0], $0xffff;
	[tilespmem:s26+$0x8080] =	vst v10  }
0x51: {  	s28 =	sor.u32 s0, s1;
	s1 =	sand.u32 $0x70, s31;
	s0 =	sand.u32 $0x3FFFFF80, s10;
	v5 =	vor.u32 v9, v5;
	v19 =	vld.idx.msk [tilespmem:v13+s3+$0x0], $0xffff;
	[tilespmem:s25+$0x8280] =	vst v11  }
0x52: {  	s18 =	sor.u32 s1, s0;
	v10 =	vor.u32 $0x200, v1;
	[tilespmem:s28+$0x8000] =	vst v16;
	v9 =	vld.idx.msk [tilespmem:v8+s3+$0x0], $0xffff  }
0x53: {  	v11 =	vor.u32 $0x180, v3;
	[tilespmem:s24+$0x8200] =	vst v17;
	v17 =	vld [tilespmem:s18+$0x6000]  }
0x54: {  	v6 =	vor.u32 $0x380, v6;
	v7 =	vld.idx.msk [tilespmem:v7+s3+$0x0], $0xffff  }
0x55: {  	v13 =	vor.u32 $0x100, v4;
	v8 =	vld.idx.msk [tilespmem:v14+s3+$0x0], $0xffff  }
0x56: {  	s21 =	sshll.u32 s20, $0x1;
	s8 =	simm.s32 $0x7;
	[tilespmem:s23+$0x8180] =	vst v12;
	v16 =	vshll.u32 v15, $0x3;
	v12 =	vor.u32 $0x300, v2;
	v14 =	vld.idx.msk [tilespmem:v5+s3+$0x0], $0xffff  }
0x57: {  	s5 =	simm.s32 $0x5;
	s9 =	simm.s32 $0x8;
	s0 =	simm.s32 $0x6;
	v18 =	vand.u32 $0xFFFFFC00, v16;
	v16 =	vor.u32 $0x80, v5;
	v10 =	vld.idx.msk [tilespmem:v10+s3+$0x0], $0xffff;
	[tilespmem:s26+$0x8100] =	vst v19  }
.LBB2_3:
0x58: {  	p1 =	sne.s32 s9, $0xFF;
	v15 =	vand.u32 $0x7F, v15;
	v18 =	vadd.s32 v0, v18;
	s5 =	sshll.u32 s5, $0x7;
	v19 =	vld.idx.msk [tilespmem:v11+s3+$0x0], $0xffff;
	v20 =	vor.u32 $0x280, v1;
	[tilespmem:s25+$0x8300] =	vst v9;
	s7 =	smov.u32 s28  }
0x59: {  	v18 =	vor.u32 v15, v18;
	s28 =	sand.u32 $0x3FFFFC00, s5;
	[tilespmem:s7+$0x8080] =	vst v7;
	v21 =	vld.idx.msk [tilespmem:v6+s3+$0x0], $0xffff;
	s5 =	smov.u32 s0;
	s0 =	smov.u32 s8  }
0x5a: {  	v23 =	vor.u32 $0x200, v3;
	s28 =	sor.u32 s29, s28;
	v22 =	vld.idx.msk [tilespmem:v13+s3+$0x0], $0xffff;
	[tilespmem:s24+$0x8280] =	vst v8;
	s29 =	smov.u32 s30;
	s30 =	smov.u32 s1  }
0x5b: {  	s8 =	smov.u32 s9;
	[tilespmem:s28+$0x8000] =	vst v14;
	v9 =	vld.idx.msk [tilespmem:v12+s3+$0x0], $0xffff  }
.Ltmp2:
0x5c: {  	v11 =	vor.u32 $0x180, v4;
	v7 =	vld.idx.msk [tilespmem:v16+s3+$0x0], $0xffff;
	[tilespmem:s23+$0x8200] =	vst v10;
	v15 =	vmov v17;
	(pc) =	sbr.rel @p1 .LBB2_3-.Ltmp2, $4  }
0x5d: {  	s10 =	sshll.u32 s9, $0x4;
	s31 =	sadd.s32 $0x10, s31;
	v6 =	vor.u32 $0x380, v2;
	v2 =	vmovc v1;
	v1 =	vmovc v3;
	v3 =	vmov v4;
	v4 =	vmov v5;
	v8 =	vld.idx.msk [tilespmem:v20+s3+$0x0], $0xffff  }
0x5e: {  	s10 =	sand.u32 $0x3FFFFF80, s10;
	s1 =	sand.u32 $0x70, s31;
	v13 =	vor.u32 $0x100, v4;
	v5 =	vmov v18;
	v14 =	vld.idx.msk [tilespmem:v18+s3+$0x0], $0xffff;
	[tilespmem:s26+$0x8180] =	vst v19  }
0x5f: {  	s10 =	sor.u32 s1, s10;
	v12 =	vor.u32 $0x300, v2;
	v16 =	vshll.u32 v15, $0x3;
	v10 =	vld.idx.msk [tilespmem:v23+s3+$0x0], $0xffff;
	[tilespmem:s25+$0x8380] =	vst v21;
	s25 =	smov.u32 s24;
	s24 =	smov.u32 s23  }
0x60: {  	s9 =	sadd.s32 $0x1, s9;
	v18 =	vand.u32 $0xFFFFFC00, v16;
	v16 =	vor.u32 $0x80, v5;
	s23 =	smov.u32 s26;
	s26 =	smov.u32 s7;
	v17 =	vld [tilespmem:s10+$0x6000];
	[tilespmem:s7+$0x8100] =	vst v22  }
0x61: {  	_ =	sdelay $0x3  }
0x62: {  	v19 =	vshll.u32 v17, $0x3  }
0x63: {  	v15 =	vand.u32 $0x7F, v15;
	v18 =	vadd.s32 v0, v18;
	v19 =	vand.u32 $0xFFFFFC00, v19  }
0x64: {  	v15 =	vor.u32 v15, v18;
	v28 =	vand.u32 $0x7F, v17;
	v29 =	vadd.s32 v0, v19  }
0x65: {  	v17 =	vor.u32 v28, v29;
	_ =	sdelay $0x3  }
0x66: {  	v30 =	vld.idx.msk [tilespmem:v15+s3+$0x0], $0xffff  }
0x67: {  	s5 =	sshll.u32 s5, $0x7;
	v31 =	vor.u32 $0x80, v15;
	v20 =	vld.idx.msk [tilespmem:v17+s3+$0x0], $0xffff  }
0x68: {  	s0 =	sshll.u32 s0, $0x7;
	s5 =	sand.u32 $0x3FFFFC00, s5;
	v21 =	vor.u32 $0x80, v17  }
0x69: {  	s10 =	sshll.u32 s8, $0x7;
	s0 =	sand.u32 $0x3FFFFC00, s0;
	s29 =	sor.u32 s29, s5  }
0x6a: {  	s18 =	sand.u32 $0x3FFFFC00, s10;
	s30 =	sor.u32 s30, s0;
	[tilespmem:s29+$0x8000] =	vst v14  }
0x6b: {  	s31 =	sor.u32 s1, s18;
	v14 =	vld.idx.msk [tilespmem:v16+s3+$0x0], $0xffff;
	[tilespmem:s30+$0x8000] =	vst v30  }
0x6c: {  	v32 =	vor.u32 $0x100, v5;
	v18 =	vld.idx.msk [tilespmem:v31+s3+$0x0], $0xffff;
	[tilespmem:s31+$0x8000] =	vst v20  }
0x6d: {  	[tilespmem:s25+$0x8300] =	vst v9;
	v33 =	vor.u32 $0x100, v15;
	v34 =	vld.idx.msk [tilespmem:v21+s3+$0x0], $0xffff  }
0x6e: {  	[tilespmem:s28+$0x8080] =	vst v7;
	v35 =	vor.u32 $0x100, v17  }
0x6f: {  	v11 =	vld.idx.msk [tilespmem:v11+s3+$0x0], $0xffff;
	[tilespmem:s24+$0x8280] =	vst v8  }
0x70: {  	v36 =	vld.idx.msk [tilespmem:v13+s3+$0x0], $0xffff;
	[tilespmem:s29+$0x8080] =	vst v14  }
0x71: {  	v37 =	vor.u32 $0x180, v4;
	v14 =	vld.idx.msk [tilespmem:v32+s3+$0x0], $0xffff;
	[tilespmem:s30+$0x8080] =	vst v18  }
0x72: {  	v38 =	vor.u32 $0x180, v5;
	v9 =	vld.idx.msk [tilespmem:v33+s3+$0x0], $0xffff;
	[tilespmem:s31+$0x8080] =	vst v34  }
0x73: {  	v39 =	vor.u32 $0x180, v15;
	[tilespmem:s23+$0x8200] =	vst v10;
	v7 =	vld.idx.msk [tilespmem:v35+s3+$0x0], $0xffff  }
0x74: {  	v6 =	vld.idx.msk [tilespmem:v6+s3+$0x0], $0xffff;
	[tilespmem:s26+$0x8180] =	vst v11;
	v40 =	vor.u32 $0x180, v17  }
0x75: {  	v41 =	vor.u32 $0x280, v1;
	v12 =	vld.idx.msk [tilespmem:v12+s3+$0x0], $0xffff;
	[tilespmem:s28+$0x8100] =	vst v36  }
0x76: {  	v42 =	vor.u32 $0x200, v3;
	v13 =	vld.idx.msk [tilespmem:v37+s3+$0x0], $0xffff;
	[tilespmem:s29+$0x8100] =	vst v14  }
0x77: {  	v43 =	vor.u32 $0x200, v4;
	v16 =	vld.idx.msk [tilespmem:v38+s3+$0x0], $0xffff;
	[tilespmem:s30+$0x8100] =	vst v9  }
0x78: {  	v44 =	vor.u32 $0x200, v5;
	v10 =	vld.idx.msk [tilespmem:v39+s3+$0x0], $0xffff;
	[tilespmem:s31+$0x8100] =	vst v7  }
0x79: {  	v45 =	vor.u32 $0x200, v15;
	[tilespmem:s25+$0x8380] =	vst v6;
	v7 =	vld.idx.msk [tilespmem:v40+s3+$0x0], $0xffff  }
0x7a: {  	v46 =	vld.idx.msk [tilespmem:v41+s3+$0x0], $0xffff;
	[tilespmem:s24+$0x8300] =	vst v12;
	v47 =	vor.u32 $0x200, v17  }
0x7b: {  	v2 =	vor.u32 $0x380, v2;
	v8 =	vld.idx.msk [tilespmem:v42+s3+$0x0], $0xffff;
	[tilespmem:s28+$0x8180] =	vst v13  }
0x7c: {  	v48 =	vor.u32 $0x280, v3;
	v14 =	vld.idx.msk [tilespmem:v43+s3+$0x0], $0xffff;
	[tilespmem:s29+$0x8180] =	vst v16  }
0x7d: {  	v49 =	vor.u32 $0x280, v4;
	v9 =	vld.idx.msk [tilespmem:v44+s3+$0x0], $0xffff;
	[tilespmem:s30+$0x8180] =	vst v10  }
0x7e: {  	v50 =	vor.u32 $0x280, v5;
	v6 =	vld.idx.msk [tilespmem:v45+s3+$0x0], $0xffff;
	[tilespmem:s31+$0x8180] =	vst v7  }
0x7f: {  	v51 =	vor.u32 $0x280, v15;
	[tilespmem:s23+$0x8280] =	vst v46;
	v52 =	vld.idx.msk [tilespmem:v47+s3+$0x0], $0xffff  }
0x80: {  	v2 =	vld.idx.msk [tilespmem:v2+s3+$0x0], $0xffff;
	v53 =	vor.u32 $0x280, v17;
	[tilespmem:s26+$0x8200] =	vst v8  }
0x81: {  	v54 =	vor.u32 $0x300, v1;
	v13 =	vld.idx.msk [tilespmem:v48+s3+$0x0], $0xffff;
	[tilespmem:s28+$0x8200] =	vst v14  }
0x82: {  	v55 =	vor.u32 $0x300, v3;
	v16 =	vld.idx.msk [tilespmem:v49+s3+$0x0], $0xffff;
	[tilespmem:s29+$0x8200] =	vst v9  }
0x83: {  	v56 =	vor.u32 $0x300, v4;
	v10 =	vld.idx.msk [tilespmem:v50+s3+$0x0], $0xffff;
	[tilespmem:s30+$0x8200] =	vst v6  }
0x84: {  	v57 =	vor.u32 $0x300, v5;
	v7 =	vld.idx.msk [tilespmem:v51+s3+$0x0], $0xffff;
	[tilespmem:s31+$0x8200] =	vst v52  }
0x85: {  	[tilespmem:s24+$0x8380] =	vst v2;
	v2 =	vor.u32 $0x300, v15;
	v8 =	vld.idx.msk [tilespmem:v53+s3+$0x0], $0xffff  }
0x86: {  	v59 =	vor.u32 $0x300, v17;
	v58 =	vld.idx.msk [tilespmem:v54+s3+$0x0], $0xffff;
	[tilespmem:s26+$0x8280] =	vst v13  }
0x87: {  	v1 =	vor.u32 $0x380, v1;
	v13 =	vld.idx.msk [tilespmem:v55+s3+$0x0], $0xffff;
	[tilespmem:s28+$0x8280] =	vst v16  }
0x88: {  	v3 =	vor.u32 $0x380, v3;
	v9 =	vld.idx.msk [tilespmem:v56+s3+$0x0], $0xffff;
	[tilespmem:s29+$0x8280] =	vst v10  }
0x89: {  	v60 =	vor.u32 $0x380, v4;
	v6 =	vld.idx.msk [tilespmem:v57+s3+$0x0], $0xffff;
	[tilespmem:s30+$0x8280] =	vst v7  }
0x8a: {  	v61 =	vor.u32 $0x380, v5;
	v2 =	vld.idx.msk [tilespmem:v2+s3+$0x0], $0xffff;
	[tilespmem:s31+$0x8280] =	vst v8  }
0x8b: {  	v62 =	vor.u32 $0x380, v15;
	[tilespmem:s23+$0x8300] =	vst v58;
	v8 =	vld.idx.msk [tilespmem:v59+s3+$0x0], $0xffff  }
0x8c: {  	v63 =	vor.u32 $0x380, v17;
	v1 =	vld.idx.msk [tilespmem:v1+s3+$0x0], $0xffff;
	[tilespmem:s26+$0x8300] =	vst v13  }
0x8d: {  	v3 =	vld.idx.msk [tilespmem:v3+s3+$0x0], $0xffff;
	[tilespmem:s28+$0x8300] =	vst v9  }
0x8e: {  	v4 =	vld.idx.msk [tilespmem:v60+s3+$0x0], $0xffff;
	[tilespmem:s29+$0x8300] =	vst v6  }
0x8f: {  	v5 =	vld.idx.msk [tilespmem:v61+s3+$0x0], $0xffff;
	[tilespmem:s30+$0x8300] =	vst v2  }
0x90: {  	v2 =	vld.idx.msk [tilespmem:v62+s3+$0x0], $0xffff;
	[tilespmem:s31+$0x8300] =	vst v8  }
0x91: {  	[tilespmem:s23+$0x8380] =	vst v1;
	v1 =	vld.idx.msk [tilespmem:v63+s3+$0x0], $0xffff  }
0x92: {  	p1 =	sne.s32 s20, $0x63;
	[tilespmem:s26+$0x8380] =	vst v3  }
.Ltmp3:
0x93: {  	[tilespmem:s28+$0x8380] =	vst v4;
	s28 =	sshll.u32 s20, $0xD;
	(pc) =	sbr.rel @p1 .LBB2_6-.Ltmp3, $4  }
0x94: {  	s23 =	sand.u32 $0x2000, s28;
	[tilespmem:s29+$0x8380] =	vst v5  }
0x95: {  	s22 =	sshll.u32 s22, $0xE;
	s0 =	sadd.s32 s2, s23;
	[tilespmem:s30+$0x8380] =	vst v2  }
0x96: {  	s0 =	sadd.s32 s22, s0;
	[tilespmem:s31+$0x8380] =	vst v1  }
0x97: {  	[hbm4b:s0+s3] =	stream.linear.scatter [tilespmem:s14], [sflag:$0x3], $0x8000, $0x38;
	[tilespmem:$0x18000] =	vst v63  }
.Ltmp4:
0x98: {  	(pc) =	sbr.rel .LBB2_7-.Ltmp4, $4  }
0x99: {  	_ = 	snop  }
0x9a: {  	_ =	swait.ge [sflag:s15], $0x1000  }
0x9b: {  	[sflag:s15] =	ssyncset.done $0x0  }
0x9c: {  	[sflag:s15] =	ssyncadd.s32 $0xFFFFF000  }
.LBB2_6:
0x9d: {  	s0 =	sadd.s32 $0x2, s21  }
0x9e: {  	s1 =	sshrl.u32 s0, $0x2  }
0x9f: {  	s0 =	sshll.u32 s0, $0x9;
	s1 =	sadd.s32 s6, s1  }
0xa0: {  	s0 =	sand.u32 $0x400, s0;
	s1 =	sshll.u32 s1, $0x8  }
0xa1: {  	s0 =	sadd.s32 s4, s0;
	s1 =	sand.u32 $0xFFFF800, s1  }
.Ltmp5:
0xa2: {  	s0 =	sadd.s32 s1, s0;
	(pc) =	sbr.rel @p0 .LBB2_8-.Ltmp5, $4  }
0xa3: {  	[tilespmem:s11], [sflag:$0x1] =	stream.linear.gather [hbm4b:s0+s3], $0x1000, $0x38;
	[tilespmem:$0x18000] =	vst v63  }
0xa4: {  	_ =	swait.ge [sflag:s15], $0x1000  }
0xa5: {  	[sflag:s15] =	ssyncset.done $0x0  }
0xa6: {  	[sflag:s15] =	ssyncadd.s32 $0xFFFFF000  }
.LBB2_7:
0xa7: {  	_ =	swait.ge [sflag:s16], $0x8000  }
0xa8: {  	[sflag:s16] =	ssyncset.done $0x0  }
0xa9: {  	[sflag:s16] =	ssyncadd.s32 $0xFFFF8000  }
.LBB2_8:
0xaa: {  	s0 =	simm.s32 $0x0;
	s1 =	simm.s32 $0x0  }
0xab: {  	s0 =	sand.u32 $0x70, s0;
	s1 =	sand.u32 $0x3FFFFF80, s1  }
0xac: {  	s1 =	sor.u32 s0, s1  }
0xad: {  	v1 =	vld [tilespmem:s1+$0x7000];
	_ =	sdelay $0x4  }
0xae: {  	s18 =	simm.s32 $0x10;
	s5 =	simm.s32 $0x10;
	v2 =	vshll.u32 v1, $0x3  }
0xaf: {  	s5 =	sand.u32 $0x70, s5;
	s1 =	sand.u32 $0x3FFFFF80, s18;
	v2 =	vand.u32 $0xFFFFFC00, v2  }
0xb0: {  	s1 =	sor.u32 s5, s1;
	v1 =	vand.u32 $0x7F, v1;
	v2 =	vadd.s32 v0, v2  }
0xb1: {  	v3 =	vld [tilespmem:s1+$0x7000];
	v6 =	vor.u32 v1, v2;
	_ =	sdelay $0x4  }
0xb2: {  	s24 =	simm.s32 $0x20;
	s7 =	simm.s32 $0x20;
	v2 =	vshll.u32 v3, $0x3;
	v1 =	vld.idx.msk [tilespmem:v6+s3+$0x0], $0xffff  }
0xb3: {  	s7 =	sand.u32 $0x70, s7;
	s1 =	sand.u32 $0x3FFFFF80, s24;
	v2 =	vand.u32 $0xFFFFFC00, v2;
	v4 =	vor.u32 $0x80, v6  }
0xb4: {  	s8 =	simm.s32 $0x0;
	s1 =	sor.u32 s7, s1;
	v3 =	vand.u32 $0x7F, v3;
	v2 =	vadd.s32 v0, v2  }
0xb5: {  	s25 =	sand.u32 $0x3FFFFC00, s8;
	v5 =	vld [tilespmem:s1+$0x7000];
	v2 =	vor.u32 v3, v2  }
0xb6: {  	s0 =	sor.u32 s0, s25  }
0xb7: {  	[tilespmem:s0+$0x10000] =	vst v1  }
0xb8: {  	v3 =	vld.idx.msk [tilespmem:v4+s3+$0x0], $0xffff  }
0xb9: {  	s26 =	simm.s32 $0x30;
	s9 =	simm.s32 $0x30;
	v4 =	vor.u32 $0x100, v6  }
0xba: {  	s8 =	sand.u32 $0x3FFFFF80, s26;
	s1 =	sand.u32 $0x70, s9;
	v7 =	vld.idx.msk [tilespmem:v2+s3+$0x0], $0xffff;
	v1 =	vshll.u32 v5, $0x3  }
0xbb: {  	s8 =	sor.u32 s1, s8;
	v8 =	vor.u32 $0x80, v2;
	v1 =	vand.u32 $0xFFFFFC00, v1  }
0xbc: {  	s10 =	simm.s32 $0x80;
	s26 =	sadd.s32 $0x10000, s0;
	v9 =	vld [tilespmem:s8+$0x7000];
	v5 =	vand.u32 $0x7F, v5;
	v1 =	vadd.s32 v0, v1  }
0xbd: {  	s18 =	sand.u32 $0x3FFFFC00, s10;
	v1 =	vor.u32 v5, v1;
	[tilespmem:s26+$0x80] =	vst v3  }
0xbe: {  	s5 =	sor.u32 s5, s18;
	v3 =	vld.idx.msk [tilespmem:v4+s3+$0x0], $0xffff  }
0xbf: {  	[tilespmem:s5+$0x10000] =	vst v7;
	v4 =	vor.u32 $0x180, v6  }
0xc0: {  	s25 =	simm.s32 $0x40;
	s24 =	simm.s32 $0x40;
	v5 =	vld.idx.msk [tilespmem:v8+s3+$0x0], $0xffff  }
0xc1: {  	s8 =	sand.u32 $0x3FFFFF80, s24;
	s0 =	sand.u32 $0x70, s25;
	v7 =	vor.u32 $0x100, v2;
	v8 =	vshll.u32 v9, $0x3  }
0xc2: {  	s8 =	sor.u32 s0, s8;
	v8 =	vand.u32 $0xFFFFFC00, v8;
	v10 =	vld.idx.msk [tilespmem:v1+s3+$0x0], $0xffff  }
0xc3: {  	v11 =	vld [tilespmem:s8+$0x7000];
	v12 =	vor.u32 $0x80, v1;
	v8 =	vadd.s32 v0, v8;
	[tilespmem:s26+$0x100] =	vst v3;
	v3 =	vand.u32 $0x7F, v9  }
0xc4: {  	s9 =	simm.s32 $0x100;
	s24 =	sadd.s32 $0x10000, s5;
	v4 =	vld.idx.msk [tilespmem:v4+s3+$0x0], $0xffff;
	v3 =	vor.u32 v3, v8  }
0xc5: {  	s10 =	sand.u32 $0x3FFFFC00, s9;
	[tilespmem:s24+$0x80] =	vst v5;
	v5 =	vor.u32 $0x200, v6  }
0xc6: {  	s5 =	sor.u32 s7, s10;
	v7 =	vld.idx.msk [tilespmem:v7+s3+$0x0], $0xffff  }
0xc7: {  	[tilespmem:s5+$0x10000] =	vst v10;
	v8 =	vor.u32 $0x180, v2  }
0xc8: {  	v9 =	vld.idx.msk [tilespmem:v12+s3+$0x0], $0xffff  }
0xc9: {  	s25 =	simm.s32 $0x50;
	v12 =	vor.u32 $0x100, v1;
	v10 =	vld.idx.msk [tilespmem:v3+s3+$0x0], $0xffff;
	[tilespmem:s26+$0x180] =	vst v4;
	v4 =	vshll.u32 v11, $0x3  }
0xca: {  	s18 =	simm.s32 $0x50;
	s29 =	sand.u32 $0x70, s25;
	v13 =	vor.u32 $0x80, v3;
	v5 =	vld.idx.msk [tilespmem:v5+s3+$0x0], $0xffff;
	v4 =	vand.u32 $0xFFFFFC00, v4  }
0xcb: {  	s8 =	simm.s32 $0x180;
	s7 =	sand.u32 $0x3FFFFF80, s18;
	[tilespmem:s24+$0x100] =	vst v7;
	v7 =	vand.u32 $0x7F, v11;
	v11 =	vor.u32 $0x280, v6;
	v4 =	vadd.s32 v0, v4  }
0xcc: {  	s9 =	sand.u32 $0x3FFFFC00, s8;
	s7 =	sor.u32 s29, s7;
	s25 =	sadd.s32 $0x10000, s5;
	v8 =	vld.idx.msk [tilespmem:v8+s3+$0x0], $0xffff;
	v4 =	vor.u32 v7, v4  }
0xcd: {  	s1 =	sor.u32 s1, s9;
	v14 =	vld [tilespmem:s7+$0x7000];
	[tilespmem:s25+$0x80] =	vst v9;
	v7 =	vor.u32 $0x200, v2  }
0xce: {  	v9 =	vld.idx.msk [tilespmem:v12+s3+$0x0], $0xffff;
	[tilespmem:s1+$0x10000] =	vst v10  }
0xcf: {  	v12 =	vor.u32 $0x180, v1;
	v10 =	vld.idx.msk [tilespmem:v13+s3+$0x0], $0xffff;
	[tilespmem:s26+$0x200] =	vst v5  }
0xd0: {  	s10 =	simm.s32 $0x60;
	s18 =	simm.s32 $0x60;
	v13 =	vor.u32 $0x100, v3;
	v11 =	vld.idx.msk [tilespmem:v11+s3+$0x0], $0xffff  }
0xd1: {  	s30 =	sand.u32 $0x70, s18;
	s5 =	sand.u32 $0x3FFFFF80, s10;
	[tilespmem:s24+$0x180] =	vst v8;
	v8 =	vor.u32 $0x300, v6;
	v16 =	vld.idx.msk [tilespmem:v4+s3+$0x0], $0xffff  }
0xd2: {  	s5 =	sor.u32 s30, s5;
	v5 =	vshll.u32 v14, $0x3;
	v17 =	vld.idx.msk [tilespmem:v7+s3+$0x0], $0xffff  }
0xd3: {  	s8 =	simm.s32 $0x200;
	s28 =	sadd.s32 $0x10000, s1;
	v15 =	vld [tilespmem:s5+$0x7000];
	v5 =	vand.u32 $0xFFFFFC00, v5;
	[tilespmem:s25+$0x100] =	vst v9;
	v7 =	vor.u32 $0x80, v4  }
0xd4: {  	s9 =	sand.u32 $0x3FFFFC00, s8;
	s10 =	simm.s32 $0x70;
	s5 =	simm.s32 $0x70;
	v9 =	vand.u32 $0x7F, v14;
	v14 =	vor.u32 $0x280, v2;
	v5 =	vadd.s32 v0, v5;
	v18 =	vld.idx.msk [tilespmem:v12+s3+$0x0], $0xffff;
	[tilespmem:s28+$0x80] =	vst v10  }
0xd5: {  	s31 =	sor.u32 s0, s9;
	s0 =	sand.u32 $0x3FFFFF80, s10;
	s1 =	sand.u32 $0x70, s5;
	v5 =	vor.u32 v9, v5;
	v19 =	vld.idx.msk [tilespmem:v13+s3+$0x0], $0xffff;
	[tilespmem:s26+$0x280] =	vst v11  }
0xd6: {  	s18 =	sor.u32 s1, s0;
	v10 =	vor.u32 $0x200, v1;
	[tilespmem:s31+$0x10000] =	vst v16;
	v9 =	vld.idx.msk [tilespmem:v8+s3+$0x0], $0xffff  }
0xd7: {  	v12 =	vor.u32 $0x180, v3;
	[tilespmem:s24+$0x200] =	vst v17;
	v17 =	vld [tilespmem:s18+$0x7000]  }
0xd8: {  	v6 =	vor.u32 $0x380, v6;
	v7 =	vld.idx.msk [tilespmem:v7+s3+$0x0], $0xffff  }
0xd9: {  	v13 =	vor.u32 $0x100, v4;
	v8 =	vld.idx.msk [tilespmem:v14+s3+$0x0], $0xffff  }
0xda: {  	s8 =	simm.s32 $0x5;
	v11 =	vor.u32 $0x300, v2;
	[tilespmem:s25+$0x180] =	vst v18;
	v16 =	vshll.u32 v15, $0x3;
	v14 =	vld.idx.msk [tilespmem:v5+s3+$0x0], $0xffff  }
0xdb: {  	s9 =	simm.s32 $0x7;
	s7 =	simm.s32 $0x8;
	s0 =	simm.s32 $0x6;
	v18 =	vand.u32 $0xFFFFFC00, v16;
	v16 =	vor.u32 $0x80, v5;
	v10 =	vld.idx.msk [tilespmem:v10+s3+$0x0], $0xffff;
	[tilespmem:s28+$0x100] =	vst v19  }
.LBB2_9:
0xdc: {  	p0 =	sne.s32 s7, $0xFF;
	v15 =	vand.u32 $0x7F, v15;
	v18 =	vadd.s32 v0, v18;
	s8 =	sshll.u32 s8, $0x7;
	s10 =	sadd.s32 $0x10000, s31;
	v19 =	vld.idx.msk [tilespmem:v12+s3+$0x0], $0xffff;
	v20 =	vor.u32 $0x280, v1;
	[tilespmem:s26+$0x300] =	vst v9  }
0xdd: {  	v18 =	vor.u32 v15, v18;
	s31 =	sand.u32 $0x3FFFFC00, s8;
	[tilespmem:s10+$0x80] =	vst v7;
	v21 =	vld.idx.msk [tilespmem:v6+s3+$0x0], $0xffff;
	s8 =	smov.u32 s0;
	s0 =	smov.u32 s9  }
0xde: {  	v23 =	vor.u32 $0x200, v3;
	s31 =	sor.u32 s29, s31;
	v22 =	vld.idx.msk [tilespmem:v13+s3+$0x0], $0xffff;
	[tilespmem:s24+$0x280] =	vst v8;
	s29 =	smov.u32 s30;
	s30 =	smov.u32 s1  }
0xdf: {  	s9 =	smov.u32 s7;
	[tilespmem:s31+$0x10000] =	vst v14;
	v9 =	vld.idx.msk [tilespmem:v11+s3+$0x0], $0xffff  }
.Ltmp6:
0xe0: {  	v12 =	vor.u32 $0x180, v4;
	v7 =	vld.idx.msk [tilespmem:v16+s3+$0x0], $0xffff;
	[tilespmem:s25+$0x200] =	vst v10;
	v15 =	vmov v17;
	(pc) =	sbr.rel @p0 .LBB2_9-.Ltmp6, $4  }
0xe1: {  	s18 =	sshll.u32 s7, $0x4;
	s5 =	sadd.s32 $0x10, s5;
	v6 =	vor.u32 $0x380, v2;
	v2 =	vmovc v1;
	v1 =	vmovc v3;
	v3 =	vmov v4;
	v4 =	vmov v5;
	v8 =	vld.idx.msk [tilespmem:v20+s3+$0x0], $0xffff  }
0xe2: {  	s18 =	sand.u32 $0x3FFFFF80, s18;
	s1 =	sand.u32 $0x70, s5;
	v13 =	vor.u32 $0x100, v4;
	v5 =	vmov v18;
	v14 =	vld.idx.msk [tilespmem:v18+s3+$0x0], $0xffff;
	[tilespmem:s28+$0x180] =	vst v19  }
0xe3: {  	s18 =	sor.u32 s1, s18;
	v11 =	vor.u32 $0x300, v2;
	v16 =	vshll.u32 v15, $0x3;
	v10 =	vld.idx.msk [tilespmem:v23+s3+$0x0], $0xffff;
	[tilespmem:s26+$0x380] =	vst v21;
	s26 =	smov.u32 s24;
	s24 =	smov.u32 s25  }
0xe4: {  	s7 =	sadd.s32 $0x1, s7;
	v18 =	vand.u32 $0xFFFFFC00, v16;
	v16 =	vor.u32 $0x80, v5;
	s25 =	smov.u32 s28;
	s28 =	smov.u32 s10;
	v17 =	vld [tilespmem:s18+$0x7000];
	[tilespmem:s10+$0x100] =	vst v22  }
0xe5: {  	_ =	sdelay $0x3  }
0xe6: {  	v19 =	vshll.u32 v17, $0x3  }
0xe7: {  	v15 =	vand.u32 $0x7F, v15;
	v18 =	vadd.s32 v0, v18;
	v19 =	vand.u32 $0xFFFFFC00, v19  }
0xe8: {  	v15 =	vor.u32 v15, v18;
	v27 =	vand.u32 $0x7F, v17;
	v28 =	vadd.s32 v0, v19  }
0xe9: {  	v0 =	vor.u32 v27, v28;
	_ =	sdelay $0x3  }
0xea: {  	v29 =	vld.idx.msk [tilespmem:v15+s3+$0x0], $0xffff  }
0xeb: {  	s5 =	sshll.u32 s8, $0x7;
	v18 =	vor.u32 $0x80, v15;
	v30 =	vld.idx.msk [tilespmem:v0+s3+$0x0], $0xffff  }
0xec: {  	s0 =	sshll.u32 s0, $0x7;
	s5 =	sand.u32 $0x3FFFFC00, s5;
	v20 =	vor.u32 $0x80, v0  }
0xed: {  	s7 =	sshll.u32 s9, $0x7;
	s0 =	sand.u32 $0x3FFFFC00, s0;
	s5 =	sor.u32 s29, s5  }
0xee: {  	s7 =	sand.u32 $0x3FFFFC00, s7;
	s0 =	sor.u32 s30, s0;
	[tilespmem:s5+$0x10000] =	vst v14  }
0xef: {  	s1 =	sor.u32 s1, s7;
	v14 =	vld.idx.msk [tilespmem:v16+s3+$0x0], $0xffff;
	[tilespmem:s0+$0x10000] =	vst v29  }
0xf0: {  	v31 =	vor.u32 $0x100, v5;
	v17 =	vld.idx.msk [tilespmem:v18+s3+$0x0], $0xffff;
	[tilespmem:s1+$0x10000] =	vst v30  }
0xf1: {  	s9 =	sadd.s32 $0x10000, s31;
	[tilespmem:s26+$0x300] =	vst v9;
	v32 =	vor.u32 $0x100, v15;
	v33 =	vld.idx.msk [tilespmem:v20+s3+$0x0], $0xffff  }
0xf2: {  	[tilespmem:s9+$0x80] =	vst v7;
	v34 =	vor.u32 $0x100, v0  }
0xf3: {  	v12 =	vld.idx.msk [tilespmem:v12+s3+$0x0], $0xffff;
	[tilespmem:s24+$0x280] =	vst v8;
	s10 =	sadd.s32 $0x10000, s5  }
0xf4: {  	v35 =	vld.idx.msk [tilespmem:v13+s3+$0x0], $0xffff;
	s18 =	sadd.s32 $0x10000, s0;
	[tilespmem:s10+$0x80] =	vst v14  }
0xf5: {  	v36 =	vor.u32 $0x180, v4;
	v14 =	vld.idx.msk [tilespmem:v31+s3+$0x0], $0xffff;
	[tilespmem:s18+$0x80] =	vst v17;
	s1 =	sadd.s32 $0x10000, s1  }
0xf6: {  	v37 =	vor.u32 $0x180, v5;
	v9 =	vld.idx.msk [tilespmem:v32+s3+$0x0], $0xffff;
	[tilespmem:s1+$0x80] =	vst v33  }
0xf7: {  	v38 =	vor.u32 $0x180, v15;
	[tilespmem:s25+$0x200] =	vst v10;
	v7 =	vld.idx.msk [tilespmem:v34+s3+$0x0], $0xffff  }
0xf8: {  	v6 =	vld.idx.msk [tilespmem:v6+s3+$0x0], $0xffff;
	[tilespmem:s28+$0x180] =	vst v12;
	v39 =	vor.u32 $0x180, v0  }
0xf9: {  	v40 =	vor.u32 $0x280, v1;
	v11 =	vld.idx.msk [tilespmem:v11+s3+$0x0], $0xffff;
	[tilespmem:s9+$0x100] =	vst v35  }
0xfa: {  	v41 =	vor.u32 $0x200, v3;
	v13 =	vld.idx.msk [tilespmem:v36+s3+$0x0], $0xffff;
	[tilespmem:s10+$0x100] =	vst v14  }
0xfb: {  	v42 =	vor.u32 $0x200, v4;
	v16 =	vld.idx.msk [tilespmem:v37+s3+$0x0], $0xffff;
	[tilespmem:s18+$0x100] =	vst v9  }
0xfc: {  	v43 =	vor.u32 $0x200, v5;
	v10 =	vld.idx.msk [tilespmem:v38+s3+$0x0], $0xffff;
	[tilespmem:s1+$0x100] =	vst v7  }
0xfd: {  	v44 =	vor.u32 $0x200, v15;
	[tilespmem:s26+$0x380] =	vst v6;
	v7 =	vld.idx.msk [tilespmem:v39+s3+$0x0], $0xffff  }
0xfe: {  	v45 =	vld.idx.msk [tilespmem:v40+s3+$0x0], $0xffff;
	[tilespmem:s24+$0x300] =	vst v11;
	v46 =	vor.u32 $0x200, v0  }
0xff: {  	v2 =	vor.u32 $0x380, v2;
	v8 =	vld.idx.msk [tilespmem:v41+s3+$0x0], $0xffff;
	[tilespmem:s9+$0x180] =	vst v13  }
0x100: {  	v47 =	vor.u32 $0x280, v3;
	v14 =	vld.idx.msk [tilespmem:v42+s3+$0x0], $0xffff;
	[tilespmem:s10+$0x180] =	vst v16  }
0x101: {  	v48 =	vor.u32 $0x280, v4;
	v9 =	vld.idx.msk [tilespmem:v43+s3+$0x0], $0xffff;
	[tilespmem:s18+$0x180] =	vst v10  }
0x102: {  	v49 =	vor.u32 $0x280, v5;
	v6 =	vld.idx.msk [tilespmem:v44+s3+$0x0], $0xffff;
	[tilespmem:s1+$0x180] =	vst v7  }
0x103: {  	v50 =	vor.u32 $0x280, v15;
	[tilespmem:s25+$0x280] =	vst v45;
	v11 =	vld.idx.msk [tilespmem:v46+s3+$0x0], $0xffff  }
0x104: {  	v2 =	vld.idx.msk [tilespmem:v2+s3+$0x0], $0xffff;
	v51 =	vor.u32 $0x280, v0;
	[tilespmem:s28+$0x200] =	vst v8  }
0x105: {  	v52 =	vor.u32 $0x300, v1;
	v13 =	vld.idx.msk [tilespmem:v47+s3+$0x0], $0xffff;
	[tilespmem:s9+$0x200] =	vst v14  }
0x106: {  	v53 =	vor.u32 $0x300, v3;
	v16 =	vld.idx.msk [tilespmem:v48+s3+$0x0], $0xffff;
	[tilespmem:s10+$0x200] =	vst v9  }
0x107: {  	v54 =	vor.u32 $0x300, v4;
	v10 =	vld.idx.msk [tilespmem:v49+s3+$0x0], $0xffff;
	[tilespmem:s18+$0x200] =	vst v6  }
0x108: {  	v55 =	vor.u32 $0x300, v5;
	v7 =	vld.idx.msk [tilespmem:v50+s3+$0x0], $0xffff;
	[tilespmem:s1+$0x200] =	vst v11  }
0x109: {  	v56 =	vor.u32 $0x300, v15;
	[tilespmem:s24+$0x380] =	vst v2;
	v8 =	vld.idx.msk [tilespmem:v51+s3+$0x0], $0xffff  }
0x10a: {  	v58 =	vor.u32 $0x300, v0;
	v57 =	vld.idx.msk [tilespmem:v52+s3+$0x0], $0xffff;
	[tilespmem:s28+$0x280] =	vst v13  }
0x10b: {  	v59 =	vor.u32 $0x380, v1;
	v13 =	vld.idx.msk [tilespmem:v53+s3+$0x0], $0xffff;
	[tilespmem:s9+$0x280] =	vst v16  }
0x10c: {  	v60 =	vor.u32 $0x380, v3;
	v9 =	vld.idx.msk [tilespmem:v54+s3+$0x0], $0xffff;
	[tilespmem:s10+$0x280] =	vst v10  }
0x10d: {  	v61 =	vor.u32 $0x380, v4;
	v6 =	vld.idx.msk [tilespmem:v55+s3+$0x0], $0xffff;
	[tilespmem:s18+$0x280] =	vst v7  }
0x10e: {  	v62 =	vor.u32 $0x380, v5;
	v2 =	vld.idx.msk [tilespmem:v56+s3+$0x0], $0xffff;
	[tilespmem:s1+$0x280] =	vst v8  }
0x10f: {  	v63 =	vor.u32 $0x380, v15;
	[tilespmem:s25+$0x300] =	vst v57;
	v8 =	vld.idx.msk [tilespmem:v58+s3+$0x0], $0xffff  }
0x110: {  	v0 =	vor.u32 $0x380, v0;
	v1 =	vld.idx.msk [tilespmem:v59+s3+$0x0], $0xffff;
	[tilespmem:s28+$0x300] =	vst v13  }
0x111: {  	v3 =	vld.idx.msk [tilespmem:v60+s3+$0x0], $0xffff;
	[tilespmem:s9+$0x300] =	vst v9  }
0x112: {  	v4 =	vld.idx.msk [tilespmem:v61+s3+$0x0], $0xffff;
	[tilespmem:s10+$0x300] =	vst v6  }
0x113: {  	v5 =	vld.idx.msk [tilespmem:v62+s3+$0x0], $0xffff;
	[tilespmem:s18+$0x300] =	vst v2  }
0x114: {  	v2 =	vld.idx.msk [tilespmem:v63+s3+$0x0], $0xffff;
	[tilespmem:s1+$0x300] =	vst v8  }
0x115: {  	[tilespmem:s25+$0x380] =	vst v1;
	v0 =	vld.idx.msk [tilespmem:v0+s3+$0x0], $0xffff  }
0x116: {  	p0 =	seq.s32 s20, $0x63;
	[tilespmem:s28+$0x380] =	vst v3  }
.Ltmp7:
0x117: {  	[tilespmem:s9+$0x380] =	vst v4;
	(pc) =	sbr.rel @p0 .LBB2_12-.Ltmp7, $4  }
0x118: {  	s30 =	sadd.s32 s23, s2;
	[tilespmem:s10+$0x380] =	vst v5  }
0x119: {  	s0 =	sadd.s32 s22, s30;
	[tilespmem:s18+$0x380] =	vst v2  }
0x11a: {  	s0 =	sadd.s32 $0x1000, s0;
	[tilespmem:s1+$0x380] =	vst v0  }
0x11b: {  	[hbm4b:s0+s3] =	stream.linear.scatter [tilespmem:s17], [sflag:$0x4], $0x8000, $0x38;
	[tilespmem:$0x18000] =	vst v63  }
0x11c: {  	s0 =	sadd.s32 $0x3, s21  }
0x11d: {  	s1 =	sshrl.u32 s0, $0x2  }
.Ltmp8:
0x11e: {  	s0 =	sshll.u32 s0, $0x9;
	s1 =	sadd.s32 s6, s1;
	(pc) =	sbr.rel .LBB2_2-.Ltmp8, $4  }
0x11f: {  	s0 =	sand.u32 $0x600, s0;
	s1 =	sshll.u32 s1, $0x8  }
0x120: {  	s0 =	sadd.s32 s4, s0;
	s1 =	sand.u32 $0xFFFF800, s1  }
0x121: {  	s20 =	sadd.s32 $0x1, s20;
	s0 =	sadd.s32 s1, s0  }
0x122: {  	[tilespmem:s12], [sflag:$0x2] =	stream.linear.gather [hbm4b:s0+s3], $0x1000, $0x38;
	[tilespmem:$0x18000] =	vst v63  }
.LBB2_13:
0x123: {  	_ =	sfence.sel $0x180000  }
0x124: {  	[bflag:$0x0] =	sbarrier.arrive $0xFFFF  }
0x125: {  	_ =	strace $0x90000047  }
0x126: {  	s0 =	stileid.u32;
	[bflag:$0x2] =	sbarrier.arrive $0xFFFF  }
0x127: {  	p0 =	sne.s32 s0, $0x0;
	s0 =	rddreg [dreg:$0x2]  }
0x128: {  	s0 =	sadd.s32 @!p0 $0x100000, s0  }
0x129: {  	[sflag:s0] =	ssyncadd.tile.s32 @!p0 $0x1;
	_ =	shalt  }
.Lfunc_end2:
_tile_overlayer_lowered:
.L_overlay_start_2:
0x12a: {  	(tag) =	ssettag $0x2  }
0x12b: {  	s0 =	rddreg [dreg:$0x0];
	s2 =	stileid.u32  }
0x12c: {  	s1 =	rddreg [dreg:$0x1];
	p0 =	sne.s32 s2, $0x0  }
0x12d: {  	s3 =	rddreg [dreg:$0x2];
	[bflag:$0x3] =	sbarrier.arrive $0xFFFF;
	s2 =	simm.s32 @!p0 $0x1C05  }
0x12e: {  	[timem:s3], [sflag:s2] =	dma.local @!p0 [hbm:s0], s1  }
0x12f: {  	s0 =	simm.s32 @!p0 $0x5  }
0x130: {  	_ =	swait.ge @!p0 [sflag:s0], s1  }
0x131: {  	s1 =	ssub.s32 @!p0 $0x0, s1;
	[sflag:s0] =	ssyncset.done @!p0 $0x0  }
0x132: {  	[sflag:s0] =	ssyncadd.s32 @!p0 s1  }
0x133: {  	[bflag:$0x3] =	sbarrier.arrive $0xFFFF  }
0x134: {  	_ =	shalt  }

</sc_bundles>
